<compile_context>
chip_gen: v7x
topology: tpu7x:2x2x1
jax: 0.10.2.dev20260603
libtpu: 0.0.44.dev20260713+nightly
codegen_flags: <defaults>
</compile_context>

<pallas_src>
import functools

import jax
import jax.numpy as jnp
from jax import lax
from jax.experimental import pallas as pl
from jax.experimental.pallas import tpu as pltpu
from jax.experimental.pallas import tpu_sc as plsc

B, T, F = 100, 100, 128
N = B * T
H = 128
G4 = 4 * H
OUT = 12 * F
E = 320000

NC, NS = 2, 16
NW = NC * NS
EPW = E // NW
CH = 125
NCH = EPW // CH
EROWS = E // CH
RING = 2
IDXR = 4
RPS = 640
RLAST = N - (NS - 1) * RPS
DEGW = 16




def _sc_mesh():
    return plsc.VectorSubcoreMesh(
        core_axis_name="c", subcore_axis_name="s", num_cores=NC,
        num_subcores=NS)


def _sliced_copy(src, dst, s):
    off = pl.multiple_of(s * RPS, 8)

    @pl.when(s < NS - 1)
    def _():
        pltpu.sync_copy(src.at[pl.ds(off, RPS)], dst.at[pl.ds(off, RPS)])

    @pl.when(s == NS - 1)
    def _():
        pltpu.sync_copy(src.at[pl.ds(off, RLAST)], dst.at[pl.ds(off, RLAST)])


def _deg_body(dst_hbm, ones_hbm, zeros_hbm, out_hbm, idx_v, ones_v, acc_sh):
    c = lax.axis_index("c")
    s = lax.axis_index("s")
    w = c * NS + s
    _sliced_copy(zeros_hbm, acc_sh, s)
    pltpu.sync_copy(ones_hbm, ones_v)
    row0 = pl.multiple_of(w * NCH, 8)
    pltpu.sync_copy(dst_hbm.at[pl.ds(row0, NCH)], idx_v)
    plsc.subcore_barrier()

    def chunk(i, carry):
        pltpu.sync_copy(ones_v, acc_sh.at[idx_v.at[i]], add=True)
        return carry

    lax.fori_loop(0, NCH, chunk, 0)
    plsc.subcore_barrier()
    _sliced_copy(acc_sh, out_hbm.at[c], s)


def _msg_body(table_hbm, src_hbm, dst_hbm, zeros_hbm, out_hbm,
              sidx_v, didx_v, rows0, rows1,
              semg0, semg1, semi0, semi1, acc_sh):
    c = lax.axis_index("c")
    s = lax.axis_index("s")
    w = c * NS + s
    rows = [rows0, rows1]
    semg = [semg0, semg1]
    semi = [semi0, semi1]
    _sliced_copy(zeros_hbm, acc_sh, s)
    row0 = w * NCH
    pltpu.sync_copy(src_hbm.at[pl.ds(row0, NCH)], sidx_v)
    plsc.subcore_barrier()

    for b in range(RING):
        pltpu.async_copy(dst_hbm.at[row0 + b], didx_v.at[b], semi[b])
        pltpu.async_copy(table_hbm.at[sidx_v.at[b]], rows[b], semg[b])

    def ring_round(i, carry):
        for b in range(RING):
            g = i * RING + b
            pltpu.make_async_copy(dst_hbm.at[row0 + b], didx_v.at[b],
                                  semi[b]).wait()
            pltpu.make_async_copy(table_hbm.at[sidx_v.at[g]], rows[b],
                                  semg[b]).wait()
            pltpu.sync_copy(rows[b], acc_sh.at[didx_v.at[b]], add=True)

            @pl.when(g + RING < NCH)
            def _():
                pltpu.async_copy(dst_hbm.at[row0 + g + RING], didx_v.at[b],
                                 semi[b])
                pltpu.async_copy(table_hbm.at[sidx_v.at[g + RING]], rows[b],
                                 semg[b])
        return carry

    lax.fori_loop(0, NCH // RING, ring_round, 0)
    plsc.subcore_barrier()
    _sliced_copy(acc_sh, out_hbm.at[c], s)


def _sc_deg(dst2):
    ones = jnp.ones((CH, DEGW), jnp.float32)
    zeros = jnp.zeros((N, DEGW), jnp.float32)
    return pl.kernel(
        _deg_body,
        out_type=jax.ShapeDtypeStruct((NC, N, DEGW), jnp.float32),
        mesh=_sc_mesh(),
        scratch_types=[
            pltpu.VMEM((NCH, CH), jnp.int32),
            pltpu.VMEM((CH, DEGW), jnp.float32),
            pltpu.VMEM_SHARED((N, DEGW), jnp.float32),
        ],
        compiler_params=pltpu.CompilerParams(use_tc_tiling_on_sc=False),
    )(dst2, ones, zeros)


def _sc_msg(table, src2, dst2):
    zeros = jnp.zeros((N, H), jnp.float32)
    return pl.kernel(
        _msg_body,
        out_type=jax.ShapeDtypeStruct((NC, N, H), jnp.float32),
        mesh=_sc_mesh(),
        scratch_types=[
            pltpu.VMEM((NCH, CH), jnp.int32),
            pltpu.VMEM((RING, CH), jnp.int32),
            pltpu.VMEM((CH, H), jnp.float32),
            pltpu.VMEM((CH, H), jnp.float32),
        ] + [pltpu.SemaphoreType.DMA] * 4 + [
            pltpu.VMEM_SHARED((N, H), jnp.float32),
        ],
        compiler_params=pltpu.CompilerParams(use_tc_tiling_on_sc=False),
    )(table, src2, dst2, zeros)




def _mm_body(x_ref, w_ref, out_ref):
    out_ref[...] = jnp.dot(x_ref[...], w_ref[...],
                           preferred_element_type=jnp.float32)


def _scale1_body(deg_ref, hw_ref, hwp_ref, dinv_ref):
    deg = deg_ref[0, :, 0:1] + deg_ref[1, :, 0:1] + 1.0
    dinv = jax.lax.rsqrt(deg)
    hwp_ref[...] = hw_ref[...] * dinv
    dinv_ref[...] = dinv


def _gcn_post_body(acc_ref, hwp_ref, dinv_ref, b_ref, gamma_ref, beta_ref,
                   w2_ref, out_ref):
    dinv = dinv_ref[...]
    h = (acc_ref[0] + acc_ref[1] + hwp_ref[...]) * dinv + b_ref[...]
    mean = jnp.mean(h, axis=0, keepdims=True)
    var = jnp.mean((h - mean) ** 2, axis=0, keepdims=True)
    h = (h - mean) * jax.lax.rsqrt(var + 1e-5) * gamma_ref[...] + beta_ref[...]
    h = jnp.maximum(h, 0.0)
    out_ref[...] = jnp.dot(h, w2_ref[...],
                           preferred_element_type=jnp.float32) * dinv


def _gcn_final_body(acc_ref, hwp_ref, dinv_ref, b_ref, gamma_ref, beta_ref,
                    out_ref):
    dinv = dinv_ref[...]
    h = (acc_ref[0] + acc_ref[1] + hwp_ref[...]) * dinv + b_ref[...]
    mean = jnp.mean(h, axis=0, keepdims=True)
    var = jnp.mean((h - mean) ** 2, axis=0, keepdims=True)
    h = (h - mean) * jax.lax.rsqrt(var + 1e-5) * gamma_ref[...] + beta_ref[...]
    out_ref[...] = jnp.maximum(h, 0.0)


def _lstm_body(x_ref, w0_ref, b0_ref, w1_ref, b1_ref, wfc_ref, bfc_ref,
               out_ref):
    zero = jnp.zeros((B, H), dtype=jnp.float32)

    def step(t, carry):
        h0, c0, h1, c1 = carry
        xt = x_ref[t]

        def cell(xin, h, c, w_ref, b_ref):
            xcat = jnp.concatenate([xin, h], axis=1)
            gates = jnp.dot(xcat, w_ref[...],
                            preferred_element_type=jnp.float32) + b_ref[...]
            i = jax.nn.sigmoid(gates[:, 0 * H:1 * H])
            f = jax.nn.sigmoid(gates[:, 1 * H:2 * H])
            g = jnp.tanh(gates[:, 2 * H:3 * H])
            o = jax.nn.sigmoid(gates[:, 3 * H:4 * H])
            c = f * c + i * g
            h = o * jnp.tanh(c)
            return h, c

        h0, c0 = cell(xt, h0, c0, w0_ref, b0_ref)
        h1, c1 = cell(h0, h1, c1, w1_ref, b1_ref)
        return h0, c0, h1, c1

    _, _, h1, _ = jax.lax.fori_loop(0, T, step, (zero, zero, zero, zero))
    out_ref[...] = jnp.dot(h1, wfc_ref[...],
                           preferred_element_type=jnp.float32) + bfc_ref[...]


def _tc_call(body, out_shape):
    return pl.pallas_call(body, out_shape=out_shape)




def kernel(x, edge_index, W_gcn1, b_gcn1, gamma1, beta1, W_gcn2, b_gcn2,
           gamma2, beta2, Wih0, Whh0, bih0, bhh0, Wih1, Whh1, bih1, bhh1,
           W_fc, b_fc):
    x2 = x.reshape(N, F)
    src2 = edge_index[0].reshape(EROWS, CH)
    dst2 = edge_index[1].reshape(EROWS, CH)

    deg_parts = _sc_deg(dst2)

    hw1 = _tc_call(
        _mm_body, jax.ShapeDtypeStruct((N, H), jnp.float32))(x2, W_gcn1)
    hwp1, dinv = _tc_call(
        _scale1_body,
        (jax.ShapeDtypeStruct((N, H), jnp.float32),
         jax.ShapeDtypeStruct((N, 1), jnp.float32)),
    )(deg_parts, hw1)

    acc1 = _sc_msg(hwp1, src2, dst2)

    hwp2 = _tc_call(
        _gcn_post_body, jax.ShapeDtypeStruct((N, H), jnp.float32),
    )(acc1, hwp1, dinv, b_gcn1.reshape(1, H), gamma1.reshape(1, H),
      beta1.reshape(1, H), W_gcn2)

    acc2 = _sc_msg(hwp2, src2, dst2)

    h2 = _tc_call(
        _gcn_final_body, jax.ShapeDtypeStruct((N, H), jnp.float32),
    )(acc2, hwp2, dinv, b_gcn2.reshape(1, H), gamma2.reshape(1, H),
      beta2.reshape(1, H))

    x_tm = jnp.swapaxes(h2.reshape(B, T, H), 0, 1)

    w0 = jnp.concatenate([Wih0.T, Whh0.T], axis=0)
    w1 = jnp.concatenate([Wih1.T, Whh1.T], axis=0)
    b0 = (bih0 + bhh0).reshape(1, G4)
    b1 = (bih1 + bhh1).reshape(1, G4)
    out = _tc_call(
        _lstm_body, jax.ShapeDtypeStruct((B, OUT), jnp.float32),
    )(x_tm, w0, b0, w1, b1, W_fc.T, b_fc.reshape(1, OUT))

    return out.reshape(B, 12, F)

# --- scband reference (transcript-rebuilt; emitter-appended) ---
"""Pipeline reference for scband-gnnpredictor-74217034875599 (READ-ONLY COPY).

The authoritative reference and input builder live on the scoring server;
editing this copy changes nothing except your own understanding.
"""

import jax, jax.numpy as jnp
import numpy as np

B, T, F_IN = 100, 100, 128
H = 128
N_NODES = B * T
N_EDGES = 320000
OUT_SIZE = 12 * F_IN


def setup_inputs(seed: int = 0) -> dict:
    key = jax.random.key(seed)
    ks = jax.random.split(key, 20)
    x = jax.random.normal(ks[0], (B, T, F_IN), dtype=jnp.float32)
    edge_index = jax.random.randint(ks[1], (2, N_EDGES), 0, N_NODES, dtype=jnp.int64 if jax.config.read('jax_enable_x64') else jnp.int32).astype(jnp.int32)
    s1 = 1.0 / np.sqrt(F_IN)
    s2 = 1.0 / np.sqrt(H)
    W_gcn1 = jax.random.normal(ks[2], (F_IN, H), dtype=jnp.float32) * s1
    b_gcn1 = jnp.zeros((H,), dtype=jnp.float32)
    gamma1 = jnp.ones((H,), dtype=jnp.float32)
    beta1 = jnp.zeros((H,), dtype=jnp.float32)
    W_gcn2 = jax.random.normal(ks[3], (H, H), dtype=jnp.float32) * s2
    b_gcn2 = jnp.zeros((H,), dtype=jnp.float32)
    gamma2 = jnp.ones((H,), dtype=jnp.float32)
    beta2 = jnp.zeros((H,), dtype=jnp.float32)
    Wih0 = jax.random.normal(ks[4], (4 * H, H), dtype=jnp.float32) * s2
    Whh0 = jax.random.normal(ks[5], (4 * H, H), dtype=jnp.float32) * s2
    bih0 = jnp.zeros((4 * H,), dtype=jnp.float32)
    bhh0 = jnp.zeros((4 * H,), dtype=jnp.float32)
    Wih1 = jax.random.normal(ks[6], (4 * H, H), dtype=jnp.float32) * s2
    Whh1 = jax.random.normal(ks[7], (4 * H, H), dtype=jnp.float32) * s2
    bih1 = jnp.zeros((4 * H,), dtype=jnp.float32)
    bhh1 = jnp.zeros((4 * H,), dtype=jnp.float32)
    W_fc = jax.random.normal(ks[8], (OUT_SIZE, H), dtype=jnp.float32) * s2
    b_fc = jnp.zeros((OUT_SIZE,), dtype=jnp.float32)
    return {
        'x': x, 'edge_index': edge_index,
        'W_gcn1': W_gcn1, 'b_gcn1': b_gcn1, 'gamma1': gamma1, 'beta1': beta1,
        'W_gcn2': W_gcn2, 'b_gcn2': b_gcn2, 'gamma2': gamma2, 'beta2': beta2,
        'Wih0': Wih0, 'Whh0': Whh0, 'bih0': bih0, 'bhh0': bhh0,
        'Wih1': Wih1, 'Whh1': Whh1, 'bih1': bih1, 'bhh1': bhh1,
        'W_fc': W_fc, 'b_fc': b_fc,
    }


def gcn_conv(h, src, dst, W, b, num_nodes):
    hw = h @ W
    sl = jnp.arange(num_nodes, dtype=src.dtype)
    src_f = jnp.concatenate([src, sl])
    dst_f = jnp.concatenate([dst, sl])
    deg = jnp.zeros((num_nodes,), dtype=hw.dtype).at[dst_f].add(1.0)
    dinv = jnp.where(deg > 0, 1.0 / jnp.sqrt(deg), 0.0)
    norm = dinv[src_f] * dinv[dst_f]
    msgs = hw[src_f] * norm[:, None]
    out = jnp.zeros_like(hw).at[dst_f].add(msgs)
    return out + b


def batch_norm(h, gamma, beta, eps=1e-5):
    mean = jnp.mean(h, axis=0)
    var = jnp.var(h, axis=0)
    return (h - mean) / jnp.sqrt(var + eps) * gamma + beta


def lstm_layer(x_seq, Wih, Whh, bih, bhh):
    bsz = x_seq.shape[0]
    hdim = Whh.shape[1]
    h0 = jnp.zeros((bsz, hdim), dtype=x_seq.dtype)
    c0 = jnp.zeros((bsz, hdim), dtype=x_seq.dtype)

    def step(carry, xt):
        h, c = carry
        gates = xt @ Wih.T + h @ Whh.T + bih + bhh
        i, f, g, o = jnp.split(gates, 4, axis=-1)
        i = jax.nn.sigmoid(i)
        f = jax.nn.sigmoid(f)
        g = jnp.tanh(g)
        o = jax.nn.sigmoid(o)
        c = f * c + i * g
        h = o * jnp.tanh(c)
        return (h, c), h

    _, hs = jax.lax.scan(step, (h0, c0), jnp.swapaxes(x_seq, 0, 1))
    return jnp.swapaxes(hs, 0, 1)


def reference(x, edge_index, W_gcn1, b_gcn1, gamma1, beta1, W_gcn2, b_gcn2, gamma2, beta2,
              Wih0, Whh0, bih0, bhh0, Wih1, Whh1, bih1, bhh1, W_fc, b_fc):
    bsz, tsteps, nflows = x.shape
    h = x.reshape(bsz * tsteps, nflows)
    src, dst = edge_index[0], edge_index[1]
    # GCN layer 1
    h = gcn_conv(h, src, dst, W_gcn1, b_gcn1, bsz * tsteps)
    h = batch_norm(h, gamma1, beta1)
    h = jax.nn.relu(h)
    # GCN layer 2
    h = gcn_conv(h, src, dst, W_gcn2, b_gcn2, bsz * tsteps)
    h = batch_norm(h, gamma2, beta2)
    h = jax.nn.relu(h)
    # (dropout = identity in eval mode)
    h = h.reshape(bsz, tsteps, -1)
    h = lstm_layer(h, Wih0, Whh0, bih0, bhh0)
    h = lstm_layer(h, Wih1, Whh1, bih1, bhh1)
    out = h[:, -1, :]
    out = out @ W_fc.T + b_fc
    return out.reshape(bsz, 12, nflows)

if __name__ == "__main__":
    import jax
    _d = setup_inputs()
    print(jax.jit(kernel)(*tuple(_d.values())))

</pallas_src>

<mosaic_0001>
#map = affine_map<(d0, d1) -> (0, 0)>
#map1 = affine_map<(d0, d1) -> (0, 0, 0)>
module attributes {stable_mosaic.version = 14 : i64} {
  func.func @_deg_body(%arg0: i32, %arg1: i32, %arg2: memref<2560x125xi32, #tpu.memory_space<hbm>>, %arg3: memref<125x16xf32, #tpu.memory_space<hbm>>, %arg4: memref<10000x16xf32, #tpu.memory_space<hbm>>, %arg5: memref<2x10000x16xf32, #tpu.memory_space<hbm>>, %arg6: memref<80x125xi32, #tpu.memory_space<vmem>>, %arg7: memref<125x16xf32, #tpu.memory_space<vmem>>, %arg8: memref<10000x16xf32, #tpu.memory_space<vmem_shared>>) attributes {dimension_semantics = [#tpu.dimension_semantics<core_parallel>, #tpu.dimension_semantics<subcore_parallel>], iteration_bounds = array<i64: 2, 16>, scalar_prefetch = 0 : i64, scratch_operands = 3 : i64, tpu.core_type = #tpu.core_type<sc_vector_subcore>, window_params = [{transform_indices = #map}, {transform_indices = #map}, {transform_indices = #map}, {transform_indices = #map1}]} {
    %mul3A = arith.constant 16 : i32
    %mul3A_0 = arith.muli %arg0, %mul3A : i32
    %add3A = arith.addi %mul3A_0, %arg1 : i32
    %mul3A_1 = arith.constant 640 : i32
    %mul3A_2 = arith.muli %arg1, %mul3A_1 : i32
    %multiple_of3A = tpu.assume_multiple %mul3A_2, 8 : i32
    %lt3A = arith.constant 15 : i32
    %lt3A_3 = arith.cmpi slt, %arg1, %lt3A : i32
    %convert_element_type3A = arith.extui %lt3A_3 : i1 to i32
    %cond3A = arith.constant 0 : i32
    %cond3A_4 = arith.cmpi ne, %convert_element_type3A, %cond3A : i32
    scf.if %cond3A_4 {
      "tpu.region"() ({
        %run_scoped3A = tpu.sem_alloc : memref<!tpu.dma_semaphore, #tpu.memory_space<semaphore_mem>>
        %dma_start3A = arith.constant 0 : i32
        %dma_start3A_31 = tpu.memref_slice %arg8[%multiple_of3A, %dma_start3A] : memref<10000x16xf32, #tpu.memory_space<vmem_shared>> -> memref<640x16xf32, #tpu.memory_space<vmem_shared>>
        %dma_start3A_32 = arith.constant 0 : i32
        %dma_start3A_33 = tpu.memref_slice %arg4[%multiple_of3A, %dma_start3A_32] : memref<10000x16xf32, #tpu.memory_space<hbm>> -> memref<640x16xf32, #tpu.memory_space<hbm>>
        tpu.enqueue_dma source(%dma_start3A_33 : memref<640x16xf32, #tpu.memory_space<hbm>>) target(%dma_start3A_31 : memref<640x16xf32, #tpu.memory_space<vmem_shared>>) target_semaphore(%run_scoped3A : memref<!tpu.dma_semaphore, #tpu.memory_space<semaphore_mem>>)
        %dma_wait3A = arith.constant 0 : i32
        %dma_wait3A_34 = tpu.memref_slice %arg8[%multiple_of3A, %dma_wait3A] : memref<10000x16xf32, #tpu.memory_space<vmem_shared>> -> memref<640x16xf32, #tpu.memory_space<vmem_shared>>
        %dma_wait3A_35 = arith.constant 0 : i32
        %dma_wait3A_36 = tpu.memref_slice %arg4[%multiple_of3A, %dma_wait3A_35] : memref<10000x16xf32, #tpu.memory_space<hbm>> -> memref<640x16xf32, #tpu.memory_space<hbm>>
        tpu.wait_dma2 semaphore(%run_scoped3A : memref<!tpu.dma_semaphore, #tpu.memory_space<semaphore_mem>>) src(%dma_wait3A_36 : memref<640x16xf32, #tpu.memory_space<hbm>>) dst(%dma_wait3A_34 : memref<640x16xf32, #tpu.memory_space<vmem_shared>>)
        tpu.yield
      }) : () -> ()
    } else {
    }
    %eq3A = arith.constant 15 : i32
    %eq3A_5 = arith.cmpi eq, %arg1, %eq3A : i32
    %convert_element_type3A_6 = arith.extui %eq3A_5 : i1 to i32
    %cond3A_7 = arith.constant 0 : i32
    %cond3A_8 = arith.cmpi ne, %convert_element_type3A_6, %cond3A_7 : i32
    scf.if %cond3A_8 {
      "tpu.region"() ({
        %run_scoped3A = tpu.sem_alloc : memref<!tpu.dma_semaphore, #tpu.memory_space<semaphore_mem>>
        %dma_start3A = arith.constant 0 : i32
        %dma_start3A_31 = tpu.memref_slice %arg8[%multiple_of3A, %dma_start3A] : memref<10000x16xf32, #tpu.memory_space<vmem_shared>> -> memref<400x16xf32, #tpu.memory_space<vmem_shared>>
        %dma_start3A_32 = arith.constant 0 : i32
        %dma_start3A_33 = tpu.memref_slice %arg4[%multiple_of3A, %dma_start3A_32] : memref<10000x16xf32, #tpu.memory_space<hbm>> -> memref<400x16xf32, #tpu.memory_space<hbm>>
        tpu.enqueue_dma source(%dma_start3A_33 : memref<400x16xf32, #tpu.memory_space<hbm>>) target(%dma_start3A_31 : memref<400x16xf32, #tpu.memory_space<vmem_shared>>) target_semaphore(%run_scoped3A : memref<!tpu.dma_semaphore, #tpu.memory_space<semaphore_mem>>)
        %dma_wait3A = arith.constant 0 : i32
        %dma_wait3A_34 = tpu.memref_slice %arg8[%multiple_of3A, %dma_wait3A] : memref<10000x16xf32, #tpu.memory_space<vmem_shared>> -> memref<400x16xf32, #tpu.memory_space<vmem_shared>>
        %dma_wait3A_35 = arith.constant 0 : i32
        %dma_wait3A_36 = tpu.memref_slice %arg4[%multiple_of3A, %dma_wait3A_35] : memref<10000x16xf32, #tpu.memory_space<hbm>> -> memref<400x16xf32, #tpu.memory_space<hbm>>
        tpu.wait_dma2 semaphore(%run_scoped3A : memref<!tpu.dma_semaphore, #tpu.memory_space<semaphore_mem>>) src(%dma_wait3A_36 : memref<400x16xf32, #tpu.memory_space<hbm>>) dst(%dma_wait3A_34 : memref<400x16xf32, #tpu.memory_space<vmem_shared>>)
        tpu.yield
      }) : () -> ()
    } else {
    }
    "tpu.region"() ({
      %run_scoped3A = tpu.sem_alloc : memref<!tpu.dma_semaphore, #tpu.memory_space<semaphore_mem>>
      tpu.enqueue_dma source(%arg3 : memref<125x16xf32, #tpu.memory_space<hbm>>) target(%arg7 : memref<125x16xf32, #tpu.memory_space<vmem>>) target_semaphore(%run_scoped3A : memref<!tpu.dma_semaphore, #tpu.memory_space<semaphore_mem>>)
      tpu.wait_dma2 semaphore(%run_scoped3A : memref<!tpu.dma_semaphore, #tpu.memory_space<semaphore_mem>>) src(%arg3 : memref<125x16xf32, #tpu.memory_space<hbm>>) dst(%arg7 : memref<125x16xf32, #tpu.memory_space<vmem>>)
      tpu.yield
    }) : () -> ()
    %mul3A_9 = arith.constant 80 : i32
    %mul3A_10 = arith.muli %add3A, %mul3A_9 : i32
    %multiple_of3A_11 = tpu.assume_multiple %mul3A_10, 8 : i32
    "tpu.region"() ({
      %run_scoped3A = tpu.sem_alloc : memref<!tpu.dma_semaphore, #tpu.memory_space<semaphore_mem>>
      %dma_start3A = arith.constant 0 : i32
      %dma_start3A_31 = tpu.memref_slice %arg2[%multiple_of3A_11, %dma_start3A] : memref<2560x125xi32, #tpu.memory_space<hbm>> -> memref<80x125xi32, #tpu.memory_space<hbm>>
      %dma_start3A_32 = arith.constant 0 : i32
      %dma_start3A_33 = tpu.memref_slice %arg2[%multiple_of3A_11, %dma_start3A_32] : memref<2560x125xi32, #tpu.memory_space<hbm>> -> memref<80x125xi32, #tpu.memory_space<hbm>>
      tpu.enqueue_dma source(%dma_start3A_33 : memref<80x125xi32, #tpu.memory_space<hbm>>) target(%arg6 : memref<80x125xi32, #tpu.memory_space<vmem>>) target_semaphore(%run_scoped3A : memref<!tpu.dma_semaphore, #tpu.memory_space<semaphore_mem>>)
      %dma_wait3A = arith.constant 0 : i32
      %dma_wait3A_34 = tpu.memref_slice %arg2[%multiple_of3A_11, %dma_wait3A] : memref<2560x125xi32, #tpu.memory_space<hbm>> -> memref<80x125xi32, #tpu.memory_space<hbm>>
      %dma_wait3A_35 = arith.constant 0 : i32
      %dma_wait3A_36 = tpu.memref_slice %arg2[%multiple_of3A_11, %dma_wait3A_35] : memref<2560x125xi32, #tpu.memory_space<hbm>> -> memref<80x125xi32, #tpu.memory_space<hbm>>
      tpu.wait_dma2 semaphore(%run_scoped3A : memref<!tpu.dma_semaphore, #tpu.memory_space<semaphore_mem>>) src(%dma_wait3A_36 : memref<80x125xi32, #tpu.memory_space<hbm>>) dst(%arg6 : memref<80x125xi32, #tpu.memory_space<vmem>>)
      tpu.yield
    }) : () -> ()
    %barrier3A = arith.constant 0 : index
    tpu.barrier barrier_id(%barrier3A)
    %scan3A = arith.constant 0 : i32
    %scan3A_12 = arith.constant 0 : i32
    %scan3A_13 = arith.constant 80 : i32
    %scan3A_14 = arith.addi %scan3A_12, %scan3A_13 : i32
    %scan3A_15 = arith.constant 1 : i32
    scf.for %scan3A_31 = %scan3A_12 to %scan3A_14 step %scan3A_15  : i32 {
      "tpu.region"() ({
        %run_scoped3A = tpu.sem_alloc : memref<!tpu.dma_semaphore, #tpu.memory_space<semaphore_mem>>
        %dma_start3A = arith.constant 0 : i32
        %dma_start3A_32 = tpu.memref_slice %arg6[%scan3A_31, %dma_start3A] : memref<80x125xi32, #tpu.memory_space<vmem>> -> memref<1x125xi32, #tpu.memory_space<vmem>>
        %dma_start3A_33 = tpu.memref_squeeze %dma_start3A_32 : memref<1x125xi32, #tpu.memory_space<vmem>> -> memref<125xi32, #tpu.memory_space<vmem>>
        %dma_start3A_34 = arith.constant 0 : i32
        %dma_start3A_35 = arith.constant 0 : i32
        %dma_start3A_36 = tpu.memref_slice %arg8[%dma_start3A_34, %dma_start3A_35] : memref<10000x16xf32, #tpu.memory_space<vmem_shared>> -> memref<10000x16xf32, #tpu.memory_space<vmem_shared>>
        tpu.enqueue_indirect_dma source(%arg7 : memref<125x16xf32, #tpu.memory_space<vmem>>) target(%dma_start3A_36 : memref<10000x16xf32, #tpu.memory_space<vmem_shared>>) offsets(%dma_start3A_33 : memref<125xi32, #tpu.memory_space<vmem>>) semaphore(%run_scoped3A : memref<!tpu.dma_semaphore, #tpu.memory_space<semaphore_mem>>) {add = true}
        %dma_wait3A = arith.constant 0 : i32
        %dma_wait3A_37 = tpu.memref_slice %arg6[%scan3A_31, %dma_wait3A] : memref<80x125xi32, #tpu.memory_space<vmem>> -> memref<1x125xi32, #tpu.memory_space<vmem>>
        %dma_wait3A_38 = tpu.memref_squeeze %dma_wait3A_37 : memref<1x125xi32, #tpu.memory_space<vmem>> -> memref<125xi32, #tpu.memory_space<vmem>>
        %dma_wait3A_39 = arith.constant 0 : i32
        %dma_wait3A_40 = arith.constant 0 : i32
        %dma_wait3A_41 = tpu.memref_slice %arg8[%dma_wait3A_39, %dma_wait3A_40] : memref<10000x16xf32, #tpu.memory_space<vmem_shared>> -> memref<10000x16xf32, #tpu.memory_space<vmem_shared>>
        tpu.wait_indirect_dma semaphore(%run_scoped3A : memref<!tpu.dma_semaphore, #tpu.memory_space<semaphore_mem>>) src(%arg7 : memref<125x16xf32, #tpu.memory_space<vmem>>) dst(%dma_wait3A_41 : memref<10000x16xf32, #tpu.memory_space<vmem_shared>>)
        tpu.yield
      }) : () -> ()
    }
    %scan3A_16 = arith.constant 80 : i32
    %barrier3A_17 = arith.constant 0 : index
    tpu.barrier barrier_id(%barrier3A_17)
    %mul3A_18 = arith.constant 640 : i32
    %mul3A_19 = arith.muli %arg1, %mul3A_18 : i32
    %multiple_of3A_20 = tpu.assume_multiple %mul3A_19, 8 : i32
    %lt3A_21 = arith.constant 15 : i32
    %lt3A_22 = arith.cmpi slt, %arg1, %lt3A_21 : i32
    %convert_element_type3A_23 = arith.extui %lt3A_22 : i1 to i32
    %cond3A_24 = arith.constant 0 : i32
    %cond3A_25 = arith.cmpi ne, %convert_element_type3A_23, %cond3A_24 : i32
    scf.if %cond3A_25 {
      "tpu.region"() ({
        %run_scoped3A = tpu.sem_alloc : memref<!tpu.dma_semaphore, #tpu.memory_space<semaphore_mem>>
        %dma_start3A = arith.constant 0 : i32
        %dma_start3A_31 = arith.constant 0 : i32
        %dma_start3A_32 = tpu.memref_slice %arg5[%arg0, %dma_start3A, %dma_start3A_31] : memref<2x10000x16xf32, #tpu.memory_space<hbm>> -> memref<1x10000x16xf32, #tpu.memory_space<hbm>>
        %dma_start3A_33 = tpu.memref_squeeze %dma_start3A_32 : memref<1x10000x16xf32, #tpu.memory_space<hbm>> -> memref<10000x16xf32, #tpu.memory_space<hbm>>
        %dma_start3A_34 = arith.constant 0 : i32
        %dma_start3A_35 = tpu.memref_slice %dma_start3A_33[%multiple_of3A_20, %dma_start3A_34] : memref<10000x16xf32, #tpu.memory_space<hbm>> -> memref<640x16xf32, #tpu.memory_space<hbm>>
        %dma_start3A_36 = arith.constant 0 : i32
        %dma_start3A_37 = tpu.memref_slice %arg8[%multiple_of3A_20, %dma_start3A_36] : memref<10000x16xf32, #tpu.memory_space<vmem_shared>> -> memref<640x16xf32, #tpu.memory_space<vmem_shared>>
        tpu.enqueue_dma source(%dma_start3A_37 : memref<640x16xf32, #tpu.memory_space<vmem_shared>>) target(%dma_start3A_35 : memref<640x16xf32, #tpu.memory_space<hbm>>) target_semaphore(%run_scoped3A : memref<!tpu.dma_semaphore, #tpu.memory_space<semaphore_mem>>)
        %dma_wait3A = arith.constant 0 : i32
        %dma_wait3A_38 = arith.constant 0 : i32
        %dma_wait3A_39 = tpu.memref_slice %arg5[%arg0, %dma_wait3A, %dma_wait3A_38] : memref<2x10000x16xf32, #tpu.memory_space<hbm>> -> memref<1x10000x16xf32, #tpu.memory_space<hbm>>
        %dma_wait3A_40 = tpu.memref_squeeze %dma_wait3A_39 : memref<1x10000x16xf32, #tpu.memory_space<hbm>> -> memref<10000x16xf32, #tpu.memory_space<hbm>>
        %dma_wait3A_41 = arith.constant 0 : i32
        %dma_wait3A_42 = tpu.memref_slice %dma_wait3A_40[%multiple_of3A_20, %dma_wait3A_41] : memref<10000x16xf32, #tpu.memory_space<hbm>> -> memref<640x16xf32, #tpu.memory_space<hbm>>
        %dma_wait3A_43 = arith.constant 0 : i32
        %dma_wait3A_44 = tpu.memref_slice %arg8[%multiple_of3A_20, %dma_wait3A_43] : memref<10000x16xf32, #tpu.memory_space<vmem_shared>> -> memref<640x16xf32, #tpu.memory_space<vmem_shared>>
        tpu.wait_dma2 semaphore(%run_scoped3A : memref<!tpu.dma_semaphore, #tpu.memory_space<semaphore_mem>>) src(%dma_wait3A_44 : memref<640x16xf32, #tpu.memory_space<vmem_shared>>) dst(%dma_wait3A_42 : memref<640x16xf32, #tpu.memory_space<hbm>>)
        tpu.yield
      }) : () -> ()
    } else {
    }
    %eq3A_26 = arith.constant 15 : i32
    %eq3A_27 = arith.cmpi eq, %arg1, %eq3A_26 : i32
    %convert_element_type3A_28 = arith.extui %eq3A_27 : i1 to i32
    %cond3A_29 = arith.constant 0 : i32
    %cond3A_30 = arith.cmpi ne, %convert_element_type3A_28, %cond3A_29 : i32
    scf.if %cond3A_30 {
      "tpu.region"() ({
        %run_scoped3A = tpu.sem_alloc : memref<!tpu.dma_semaphore, #tpu.memory_space<semaphore_mem>>
        %dma_start3A = arith.constant 0 : i32
        %dma_start3A_31 = arith.constant 0 : i32
        %dma_start3A_32 = tpu.memref_slice %arg5[%arg0, %dma_start3A, %dma_start3A_31] : memref<2x10000x16xf32, #tpu.memory_space<hbm>> -> memref<1x10000x16xf32, #tpu.memory_space<hbm>>
        %dma_start3A_33 = tpu.memref_squeeze %dma_start3A_32 : memref<1x10000x16xf32, #tpu.memory_space<hbm>> -> memref<10000x16xf32, #tpu.memory_space<hbm>>
        %dma_start3A_34 = arith.constant 0 : i32
        %dma_start3A_35 = tpu.memref_slice %dma_start3A_33[%multiple_of3A_20, %dma_start3A_34] : memref<10000x16xf32, #tpu.memory_space<hbm>> -> memref<400x16xf32, #tpu.memory_space<hbm>>
        %dma_start3A_36 = arith.constant 0 : i32
        %dma_start3A_37 = tpu.memref_slice %arg8[%multiple_of3A_20, %dma_start3A_36] : memref<10000x16xf32, #tpu.memory_space<vmem_shared>> -> memref<400x16xf32, #tpu.memory_space<vmem_shared>>
        tpu.enqueue_dma source(%dma_start3A_37 : memref<400x16xf32, #tpu.memory_space<vmem_shared>>) target(%dma_start3A_35 : memref<400x16xf32, #tpu.memory_space<hbm>>) target_semaphore(%run_scoped3A : memref<!tpu.dma_semaphore, #tpu.memory_space<semaphore_mem>>)
        %dma_wait3A = arith.constant 0 : i32
        %dma_wait3A_38 = arith.constant 0 : i32
        %dma_wait3A_39 = tpu.memref_slice %arg5[%arg0, %dma_wait3A, %dma_wait3A_38] : memref<2x10000x16xf32, #tpu.memory_space<hbm>> -> memref<1x10000x16xf32, #tpu.memory_space<hbm>>
        %dma_wait3A_40 = tpu.memref_squeeze %dma_wait3A_39 : memref<1x10000x16xf32, #tpu.memory_space<hbm>> -> memref<10000x16xf32, #tpu.memory_space<hbm>>
        %dma_wait3A_41 = arith.constant 0 : i32
        %dma_wait3A_42 = tpu.memref_slice %dma_wait3A_40[%multiple_of3A_20, %dma_wait3A_41] : memref<10000x16xf32, #tpu.memory_space<hbm>> -> memref<400x16xf32, #tpu.memory_space<hbm>>
        %dma_wait3A_43 = arith.constant 0 : i32
        %dma_wait3A_44 = tpu.memref_slice %arg8[%multiple_of3A_20, %dma_wait3A_43] : memref<10000x16xf32, #tpu.memory_space<vmem_shared>> -> memref<400x16xf32, #tpu.memory_space<vmem_shared>>
        tpu.wait_dma2 semaphore(%run_scoped3A : memref<!tpu.dma_semaphore, #tpu.memory_space<semaphore_mem>>) src(%dma_wait3A_44 : memref<400x16xf32, #tpu.memory_space<vmem_shared>>) dst(%dma_wait3A_42 : memref<400x16xf32, #tpu.memory_space<hbm>>)
        tpu.yield
      }) : () -> ()
    } else {
    }
    return
  }
}

#map = affine_map<(d0, d1) -> (0, 0)>
#map1 = affine_map<(d0, d1) -> (0, 0, 0)>
module attributes {stable_mosaic.version = 14 : i64} {
  func.func @_msg_body(%arg0: i32, %arg1: i32, %arg2: memref<10000x128xf32, #tpu.memory_space<hbm>>, %arg3: memref<2560x125xi32, #tpu.memory_space<hbm>>, %arg4: memref<2560x125xi32, #tpu.memory_space<hbm>>, %arg5: memref<10000x128xf32, #tpu.memory_space<hbm>>, %arg6: memref<2x10000x128xf32, #tpu.memory_space<hbm>>, %arg7: memref<80x125xi32, #tpu.memory_space<vmem>>, %arg8: memref<2x125xi32, #tpu.memory_space<vmem>>, %arg9: memref<125x128xf32, #tpu.memory_space<vmem>>, %arg10: memref<125x128xf32, #tpu.memory_space<vmem>>, %arg11: memref<!tpu.dma_semaphore, #tpu.memory_space<semaphore_mem>>, %arg12: memref<!tpu.dma_semaphore, #tpu.memory_space<semaphore_mem>>, %arg13: memref<!tpu.dma_semaphore, #tpu.memory_space<semaphore_mem>>, %arg14: memref<!tpu.dma_semaphore, #tpu.memory_space<semaphore_mem>>, %arg15: memref<10000x128xf32, #tpu.memory_space<vmem_shared>>) attributes {dimension_semantics = [#tpu.dimension_semantics<core_parallel>, #tpu.dimension_semantics<subcore_parallel>], iteration_bounds = array<i64: 2, 16>, scalar_prefetch = 0 : i64, scratch_operands = 9 : i64, tpu.core_type = #tpu.core_type<sc_vector_subcore>, window_params = [{transform_indices = #map}, {transform_indices = #map}, {transform_indices = #map}, {transform_indices = #map}, {transform_indices = #map1}]} {
    %mul3A = arith.constant 16 : i32
    %mul3A_0 = arith.muli %arg0, %mul3A : i32
    %add3A = arith.addi %mul3A_0, %arg1 : i32
    %mul3A_1 = arith.constant 640 : i32
    %mul3A_2 = arith.muli %arg1, %mul3A_1 : i32
    %multiple_of3A = tpu.assume_multiple %mul3A_2, 8 : i32
    %lt3A = arith.constant 15 : i32
    %lt3A_3 = arith.cmpi slt, %arg1, %lt3A : i32
    %convert_element_type3A = arith.extui %lt3A_3 : i1 to i32
    %cond3A = arith.constant 0 : i32
    %cond3A_4 = arith.cmpi ne, %convert_element_type3A, %cond3A : i32
    scf.if %cond3A_4 {
      "tpu.region"() ({
        %run_scoped3A = tpu.sem_alloc : memref<!tpu.dma_semaphore, #tpu.memory_space<semaphore_mem>>
        %dma_start3A_73 = arith.constant 0 : i32
        %dma_start3A_74 = tpu.memref_slice %arg15[%multiple_of3A, %dma_start3A_73] : memref<10000x128xf32, #tpu.memory_space<vmem_shared>> -> memref<640x128xf32, #tpu.memory_space<vmem_shared>>
        %dma_start3A_75 = arith.constant 0 : i32
        %dma_start3A_76 = tpu.memref_slice %arg5[%multiple_of3A, %dma_start3A_75] : memref<10000x128xf32, #tpu.memory_space<hbm>> -> memref<640x128xf32, #tpu.memory_space<hbm>>
        tpu.enqueue_dma source(%dma_start3A_76 : memref<640x128xf32, #tpu.memory_space<hbm>>) target(%dma_start3A_74 : memref<640x128xf32, #tpu.memory_space<vmem_shared>>) target_semaphore(%run_scoped3A : memref<!tpu.dma_semaphore, #tpu.memory_space<semaphore_mem>>)
        %dma_wait3A = arith.constant 0 : i32
        %dma_wait3A_77 = tpu.memref_slice %arg15[%multiple_of3A, %dma_wait3A] : memref<10000x128xf32, #tpu.memory_space<vmem_shared>> -> memref<640x128xf32, #tpu.memory_space<vmem_shared>>
        %dma_wait3A_78 = arith.constant 0 : i32
        %dma_wait3A_79 = tpu.memref_slice %arg5[%multiple_of3A, %dma_wait3A_78] : memref<10000x128xf32, #tpu.memory_space<hbm>> -> memref<640x128xf32, #tpu.memory_space<hbm>>
        tpu.wait_dma2 semaphore(%run_scoped3A : memref<!tpu.dma_semaphore, #tpu.memory_space<semaphore_mem>>) src(%dma_wait3A_79 : memref<640x128xf32, #tpu.memory_space<hbm>>) dst(%dma_wait3A_77 : memref<640x128xf32, #tpu.memory_space<vmem_shared>>)
        tpu.yield
      }) : () -> ()
    } else {
    }
    %eq3A = arith.constant 15 : i32
    %eq3A_5 = arith.cmpi eq, %arg1, %eq3A : i32
    %convert_element_type3A_6 = arith.extui %eq3A_5 : i1 to i32
    %cond3A_7 = arith.constant 0 : i32
    %cond3A_8 = arith.cmpi ne, %convert_element_type3A_6, %cond3A_7 : i32
    scf.if %cond3A_8 {
      "tpu.region"() ({
        %run_scoped3A = tpu.sem_alloc : memref<!tpu.dma_semaphore, #tpu.memory_space<semaphore_mem>>
        %dma_start3A_73 = arith.constant 0 : i32
        %dma_start3A_74 = tpu.memref_slice %arg15[%multiple_of3A, %dma_start3A_73] : memref<10000x128xf32, #tpu.memory_space<vmem_shared>> -> memref<400x128xf32, #tpu.memory_space<vmem_shared>>
        %dma_start3A_75 = arith.constant 0 : i32
        %dma_start3A_76 = tpu.memref_slice %arg5[%multiple_of3A, %dma_start3A_75] : memref<10000x128xf32, #tpu.memory_space<hbm>> -> memref<400x128xf32, #tpu.memory_space<hbm>>
        tpu.enqueue_dma source(%dma_start3A_76 : memref<400x128xf32, #tpu.memory_space<hbm>>) target(%dma_start3A_74 : memref<400x128xf32, #tpu.memory_space<vmem_shared>>) target_semaphore(%run_scoped3A : memref<!tpu.dma_semaphore, #tpu.memory_space<semaphore_mem>>)
        %dma_wait3A = arith.constant 0 : i32
        %dma_wait3A_77 = tpu.memref_slice %arg15[%multiple_of3A, %dma_wait3A] : memref<10000x128xf32, #tpu.memory_space<vmem_shared>> -> memref<400x128xf32, #tpu.memory_space<vmem_shared>>
        %dma_wait3A_78 = arith.constant 0 : i32
        %dma_wait3A_79 = tpu.memref_slice %arg5[%multiple_of3A, %dma_wait3A_78] : memref<10000x128xf32, #tpu.memory_space<hbm>> -> memref<400x128xf32, #tpu.memory_space<hbm>>
        tpu.wait_dma2 semaphore(%run_scoped3A : memref<!tpu.dma_semaphore, #tpu.memory_space<semaphore_mem>>) src(%dma_wait3A_79 : memref<400x128xf32, #tpu.memory_space<hbm>>) dst(%dma_wait3A_77 : memref<400x128xf32, #tpu.memory_space<vmem_shared>>)
        tpu.yield
      }) : () -> ()
    } else {
    }
    %mul3A_9 = arith.constant 80 : i32
    %mul3A_10 = arith.muli %add3A, %mul3A_9 : i32
    "tpu.region"() ({
      %run_scoped3A = tpu.sem_alloc : memref<!tpu.dma_semaphore, #tpu.memory_space<semaphore_mem>>
      %dma_start3A_73 = arith.constant 0 : i32
      %dma_start3A_74 = tpu.memref_slice %arg3[%mul3A_10, %dma_start3A_73] : memref<2560x125xi32, #tpu.memory_space<hbm>> -> memref<80x125xi32, #tpu.memory_space<hbm>>
      %dma_start3A_75 = arith.constant 0 : i32
      %dma_start3A_76 = tpu.memref_slice %arg3[%mul3A_10, %dma_start3A_75] : memref<2560x125xi32, #tpu.memory_space<hbm>> -> memref<80x125xi32, #tpu.memory_space<hbm>>
      tpu.enqueue_dma source(%dma_start3A_76 : memref<80x125xi32, #tpu.memory_space<hbm>>) target(%arg7 : memref<80x125xi32, #tpu.memory_space<vmem>>) target_semaphore(%run_scoped3A : memref<!tpu.dma_semaphore, #tpu.memory_space<semaphore_mem>>)
      %dma_wait3A = arith.constant 0 : i32
      %dma_wait3A_77 = tpu.memref_slice %arg3[%mul3A_10, %dma_wait3A] : memref<2560x125xi32, #tpu.memory_space<hbm>> -> memref<80x125xi32, #tpu.memory_space<hbm>>
      %dma_wait3A_78 = arith.constant 0 : i32
      %dma_wait3A_79 = tpu.memref_slice %arg3[%mul3A_10, %dma_wait3A_78] : memref<2560x125xi32, #tpu.memory_space<hbm>> -> memref<80x125xi32, #tpu.memory_space<hbm>>
      tpu.wait_dma2 semaphore(%run_scoped3A : memref<!tpu.dma_semaphore, #tpu.memory_space<semaphore_mem>>) src(%dma_wait3A_79 : memref<80x125xi32, #tpu.memory_space<hbm>>) dst(%arg7 : memref<80x125xi32, #tpu.memory_space<vmem>>)
      tpu.yield
    }) : () -> ()
    %barrier3A = arith.constant 0 : index
    tpu.barrier barrier_id(%barrier3A)
    %add3A_11 = arith.constant 0 : i32
    %add3A_12 = arith.addi %mul3A_10, %add3A_11 : i32
    %dma_start3A = arith.constant 0 : i32
    %dma_start3A_13 = arith.constant 0 : i32
    %dma_start3A_14 = tpu.memref_slice %arg8[%dma_start3A, %dma_start3A_13] : memref<2x125xi32, #tpu.memory_space<vmem>> -> memref<1x125xi32, #tpu.memory_space<vmem>>
    %dma_start3A_15 = tpu.memref_squeeze %dma_start3A_14 : memref<1x125xi32, #tpu.memory_space<vmem>> -> memref<125xi32, #tpu.memory_space<vmem>>
    %dma_start3A_16 = arith.constant 0 : i32
    %dma_start3A_17 = tpu.memref_slice %arg4[%add3A_12, %dma_start3A_16] : memref<2560x125xi32, #tpu.memory_space<hbm>> -> memref<1x125xi32, #tpu.memory_space<hbm>>
    %dma_start3A_18 = tpu.memref_squeeze %dma_start3A_17 : memref<1x125xi32, #tpu.memory_space<hbm>> -> memref<125xi32, #tpu.memory_space<hbm>>
    %dma_start3A_19 = arith.constant 0 : i32
    %dma_start3A_20 = tpu.memref_slice %arg8[%dma_start3A, %dma_start3A_19] : memref<2x125xi32, #tpu.memory_space<vmem>> -> memref<1x125xi32, #tpu.memory_space<vmem>>
    %dma_start3A_21 = tpu.memref_squeeze %dma_start3A_20 : memref<1x125xi32, #tpu.memory_space<vmem>> -> memref<125xi32, #tpu.memory_space<vmem>>
    %dma_start3A_22 = arith.constant 0 : i32
    %dma_start3A_23 = tpu.memref_slice %arg4[%add3A_12, %dma_start3A_22] : memref<2560x125xi32, #tpu.memory_space<hbm>> -> memref<1x125xi32, #tpu.memory_space<hbm>>
    %dma_start3A_24 = tpu.memref_squeeze %dma_start3A_23 : memref<1x125xi32, #tpu.memory_space<hbm>> -> memref<125xi32, #tpu.memory_space<hbm>>
    tpu.enqueue_dma source(%dma_start3A_24 : memref<125xi32, #tpu.memory_space<hbm>>) target(%dma_start3A_21 : memref<125xi32, #tpu.memory_space<vmem>>) target_semaphore(%arg13 : memref<!tpu.dma_semaphore, #tpu.memory_space<semaphore_mem>>)
    %dma_start3A_25 = arith.constant 0 : i32
    %dma_start3A_26 = arith.constant 0 : i32
    %dma_start3A_27 = tpu.memref_slice %arg7[%dma_start3A_25, %dma_start3A_26] : memref<80x125xi32, #tpu.memory_space<vmem>> -> memref<1x125xi32, #tpu.memory_space<vmem>>
    %dma_start3A_28 = tpu.memref_squeeze %dma_start3A_27 : memref<1x125xi32, #tpu.memory_space<vmem>> -> memref<125xi32, #tpu.memory_space<vmem>>
    %dma_start3A_29 = arith.constant 0 : i32
    %dma_start3A_30 = arith.constant 0 : i32
    %dma_start3A_31 = tpu.memref_slice %arg2[%dma_start3A_29, %dma_start3A_30] : memref<10000x128xf32, #tpu.memory_space<hbm>> -> memref<10000x128xf32, #tpu.memory_space<hbm>>
    tpu.enqueue_indirect_dma source(%dma_start3A_31 : memref<10000x128xf32, #tpu.memory_space<hbm>>) target(%arg9 : memref<125x128xf32, #tpu.memory_space<vmem>>) offsets(%dma_start3A_28 : memref<125xi32, #tpu.memory_space<vmem>>) semaphore(%arg11 : memref<!tpu.dma_semaphore, #tpu.memory_space<semaphore_mem>>)
    %add3A_32 = arith.constant 1 : i32
    %add3A_33 = arith.addi %mul3A_10, %add3A_32 : i32
    %dma_start3A_34 = arith.constant 1 : i32
    %dma_start3A_35 = arith.constant 0 : i32
    %dma_start3A_36 = tpu.memref_slice %arg8[%dma_start3A_34, %dma_start3A_35] : memref<2x125xi32, #tpu.memory_space<vmem>> -> memref<1x125xi32, #tpu.memory_space<vmem>>
    %dma_start3A_37 = tpu.memref_squeeze %dma_start3A_36 : memref<1x125xi32, #tpu.memory_space<vmem>> -> memref<125xi32, #tpu.memory_space<vmem>>
    %dma_start3A_38 = arith.constant 0 : i32
    %dma_start3A_39 = tpu.memref_slice %arg4[%add3A_33, %dma_start3A_38] : memref<2560x125xi32, #tpu.memory_space<hbm>> -> memref<1x125xi32, #tpu.memory_space<hbm>>
    %dma_start3A_40 = tpu.memref_squeeze %dma_start3A_39 : memref<1x125xi32, #tpu.memory_space<hbm>> -> memref<125xi32, #tpu.memory_space<hbm>>
    %dma_start3A_41 = arith.constant 0 : i32
    %dma_start3A_42 = tpu.memref_slice %arg8[%dma_start3A_34, %dma_start3A_41] : memref<2x125xi32, #tpu.memory_space<vmem>> -> memref<1x125xi32, #tpu.memory_space<vmem>>
    %dma_start3A_43 = tpu.memref_squeeze %dma_start3A_42 : memref<1x125xi32, #tpu.memory_space<vmem>> -> memref<125xi32, #tpu.memory_space<vmem>>
    %dma_start3A_44 = arith.constant 0 : i32
    %dma_start3A_45 = tpu.memref_slice %arg4[%add3A_33, %dma_start3A_44] : memref<2560x125xi32, #tpu.memory_space<hbm>> -> memref<1x125xi32, #tpu.memory_space<hbm>>
    %dma_start3A_46 = tpu.memref_squeeze %dma_start3A_45 : memref<1x125xi32, #tpu.memory_space<hbm>> -> memref<125xi32, #tpu.memory_space<hbm>>
    tpu.enqueue_dma source(%dma_start3A_46 : memref<125xi32, #tpu.memory_space<hbm>>) target(%dma_start3A_43 : memref<125xi32, #tpu.memory_space<vmem>>) target_semaphore(%arg14 : memref<!tpu.dma_semaphore, #tpu.memory_space<semaphore_mem>>)
    %dma_start3A_47 = arith.constant 1 : i32
    %dma_start3A_48 = arith.constant 0 : i32
    %dma_start3A_49 = tpu.memref_slice %arg7[%dma_start3A_47, %dma_start3A_48] : memref<80x125xi32, #tpu.memory_space<vmem>> -> memref<1x125xi32, #tpu.memory_space<vmem>>
    %dma_start3A_50 = tpu.memref_squeeze %dma_start3A_49 : memref<1x125xi32, #tpu.memory_space<vmem>> -> memref<125xi32, #tpu.memory_space<vmem>>
    %dma_start3A_51 = arith.constant 0 : i32
    %dma_start3A_52 = arith.constant 0 : i32
    %dma_start3A_53 = tpu.memref_slice %arg2[%dma_start3A_51, %dma_start3A_52] : memref<10000x128xf32, #tpu.memory_space<hbm>> -> memref<10000x128xf32, #tpu.memory_space<hbm>>
    tpu.enqueue_indirect_dma source(%dma_start3A_53 : memref<10000x128xf32, #tpu.memory_space<hbm>>) target(%arg10 : memref<125x128xf32, #tpu.memory_space<vmem>>) offsets(%dma_start3A_50 : memref<125xi32, #tpu.memory_space<vmem>>) semaphore(%arg12 : memref<!tpu.dma_semaphore, #tpu.memory_space<semaphore_mem>>)
    %scan3A = arith.constant 0 : i32
    %scan3A_54 = arith.constant 0 : i32
    %scan3A_55 = arith.constant 40 : i32
    %scan3A_56 = arith.addi %scan3A_54, %scan3A_55 : i32
    %scan3A_57 = arith.constant 1 : i32
    scf.for %scan3A_73 = %scan3A_54 to %scan3A_56 step %scan3A_57  : i32 {
      %mul3A_74 = arith.constant 2 : i32
      %mul3A_75 = arith.muli %scan3A_73, %mul3A_74 : i32
      %add3A_76 = arith.constant 0 : i32
      %add3A_77 = arith.addi %mul3A_75, %add3A_76 : i32
      %add3A_78 = arith.constant 0 : i32
      %add3A_79 = arith.addi %mul3A_10, %add3A_78 : i32
      %dma_wait3A = arith.constant 0 : i32
      %dma_wait3A_80 = arith.constant 0 : i32
      %dma_wait3A_81 = tpu.memref_slice %arg8[%dma_wait3A, %dma_wait3A_80] : memref<2x125xi32, #tpu.memory_space<vmem>> -> memref<1x125xi32, #tpu.memory_space<vmem>>
      %dma_wait3A_82 = tpu.memref_squeeze %dma_wait3A_81 : memref<1x125xi32, #tpu.memory_space<vmem>> -> memref<125xi32, #tpu.memory_space<vmem>>
      %dma_wait3A_83 = arith.constant 0 : i32
      %dma_wait3A_84 = tpu.memref_slice %arg4[%add3A_79, %dma_wait3A_83] : memref<2560x125xi32, #tpu.memory_space<hbm>> -> memref<1x125xi32, #tpu.memory_space<hbm>>
      %dma_wait3A_85 = tpu.memref_squeeze %dma_wait3A_84 : memref<1x125xi32, #tpu.memory_space<hbm>> -> memref<125xi32, #tpu.memory_space<hbm>>
      %dma_wait3A_86 = arith.constant 0 : i32
      %dma_wait3A_87 = tpu.memref_slice %arg8[%dma_wait3A, %dma_wait3A_86] : memref<2x125xi32, #tpu.memory_space<vmem>> -> memref<1x125xi32, #tpu.memory_space<vmem>>
      %dma_wait3A_88 = tpu.memref_squeeze %dma_wait3A_87 : memref<1x125xi32, #tpu.memory_space<vmem>> -> memref<125xi32, #tpu.memory_space<vmem>>
      %dma_wait3A_89 = arith.constant 0 : i32
      %dma_wait3A_90 = tpu.memref_slice %arg4[%add3A_79, %dma_wait3A_89] : memref<2560x125xi32, #tpu.memory_space<hbm>> -> memref<1x125xi32, #tpu.memory_space<hbm>>
      %dma_wait3A_91 = tpu.memref_squeeze %dma_wait3A_90 : memref<1x125xi32, #tpu.memory_space<hbm>> -> memref<125xi32, #tpu.memory_space<hbm>>
      tpu.wait_dma2 semaphore(%arg13 : memref<!tpu.dma_semaphore, #tpu.memory_space<semaphore_mem>>) src(%dma_wait3A_91 : memref<125xi32, #tpu.memory_space<hbm>>) dst(%dma_wait3A_88 : memref<125xi32, #tpu.memory_space<vmem>>)
      %dma_wait3A_92 = arith.constant 0 : i32
      %dma_wait3A_93 = tpu.memref_slice %arg7[%add3A_77, %dma_wait3A_92] : memref<80x125xi32, #tpu.memory_space<vmem>> -> memref<1x125xi32, #tpu.memory_space<vmem>>
      %dma_wait3A_94 = tpu.memref_squeeze %dma_wait3A_93 : memref<1x125xi32, #tpu.memory_space<vmem>> -> memref<125xi32, #tpu.memory_space<vmem>>
      %dma_wait3A_95 = arith.constant 0 : i32
      %dma_wait3A_96 = arith.constant 0 : i32
      %dma_wait3A_97 = tpu.memref_slice %arg2[%dma_wait3A_95, %dma_wait3A_96] : memref<10000x128xf32, #tpu.memory_space<hbm>> -> memref<10000x128xf32, #tpu.memory_space<hbm>>
      tpu.wait_indirect_dma semaphore(%arg11 : memref<!tpu.dma_semaphore, #tpu.memory_space<semaphore_mem>>) src(%dma_wait3A_97 : memref<10000x128xf32, #tpu.memory_space<hbm>>) dst(%arg9 : memref<125x128xf32, #tpu.memory_space<vmem>>)
      %run_scoped3A = arith.constant 0 : i32
      "tpu.region"() ({
        %run_scoped3A_138 = tpu.sem_alloc : memref<!tpu.dma_semaphore, #tpu.memory_space<semaphore_mem>>
        %dma_start3A_139 = arith.constant 0 : i32
        %dma_start3A_140 = tpu.memref_slice %arg8[%run_scoped3A, %dma_start3A_139] : memref<2x125xi32, #tpu.memory_space<vmem>> -> memref<1x125xi32, #tpu.memory_space<vmem>>
        %dma_start3A_141 = tpu.memref_squeeze %dma_start3A_140 : memref<1x125xi32, #tpu.memory_space<vmem>> -> memref<125xi32, #tpu.memory_space<vmem>>
        %dma_start3A_142 = arith.constant 0 : i32
        %dma_start3A_143 = arith.constant 0 : i32
        %dma_start3A_144 = tpu.memref_slice %arg15[%dma_start3A_142, %dma_start3A_143] : memref<10000x128xf32, #tpu.memory_space<vmem_shared>> -> memref<10000x128xf32, #tpu.memory_space<vmem_shared>>
        tpu.enqueue_indirect_dma source(%arg9 : memref<125x128xf32, #tpu.memory_space<vmem>>) target(%dma_start3A_144 : memref<10000x128xf32, #tpu.memory_space<vmem_shared>>) offsets(%dma_start3A_141 : memref<125xi32, #tpu.memory_space<vmem>>) semaphore(%run_scoped3A_138 : memref<!tpu.dma_semaphore, #tpu.memory_space<semaphore_mem>>) {add = true}
        %dma_wait3A_145 = arith.constant 0 : i32
        %dma_wait3A_146 = tpu.memref_slice %arg8[%run_scoped3A, %dma_wait3A_145] : memref<2x125xi32, #tpu.memory_space<vmem>> -> memref<1x125xi32, #tpu.memory_space<vmem>>
        %dma_wait3A_147 = tpu.memref_squeeze %dma_wait3A_146 : memref<1x125xi32, #tpu.memory_space<vmem>> -> memref<125xi32, #tpu.memory_space<vmem>>
        %dma_wait3A_148 = arith.constant 0 : i32
        %dma_wait3A_149 = arith.constant 0 : i32
        %dma_wait3A_150 = tpu.memref_slice %arg15[%dma_wait3A_148, %dma_wait3A_149] : memref<10000x128xf32, #tpu.memory_space<vmem_shared>> -> memref<10000x128xf32, #tpu.memory_space<vmem_shared>>
        tpu.wait_indirect_dma semaphore(%run_scoped3A_138 : memref<!tpu.dma_semaphore, #tpu.memory_space<semaphore_mem>>) src(%arg9 : memref<125x128xf32, #tpu.memory_space<vmem>>) dst(%dma_wait3A_150 : memref<10000x128xf32, #tpu.memory_space<vmem_shared>>)
        tpu.yield
      }) : () -> ()
      %add3A_98 = arith.constant 2 : i32
      %add3A_99 = arith.addi %add3A_77, %add3A_98 : i32
      %lt3A_100 = arith.constant 80 : i32
      %lt3A_101 = arith.cmpi slt, %add3A_99, %lt3A_100 : i32
      %convert_element_type3A_102 = arith.extui %lt3A_101 : i1 to i32
      %cond3A_103 = arith.constant 0 : i32
      %cond3A_104 = arith.cmpi ne, %convert_element_type3A_102, %cond3A_103 : i32
      scf.if %cond3A_104 {
        %add3A_138 = arith.addi %mul3A_10, %add3A_77 : i32
        %add3A_139 = arith.constant 2 : i32
        %add3A_140 = arith.addi %add3A_138, %add3A_139 : i32
        %dma_start3A_141 = arith.constant 0 : i32
        %dma_start3A_142 = arith.constant 0 : i32
        %dma_start3A_143 = tpu.memref_slice %arg8[%dma_start3A_141, %dma_start3A_142] : memref<2x125xi32, #tpu.memory_space<vmem>> -> memref<1x125xi32, #tpu.memory_space<vmem>>
        %dma_start3A_144 = tpu.memref_squeeze %dma_start3A_143 : memref<1x125xi32, #tpu.memory_space<vmem>> -> memref<125xi32, #tpu.memory_space<vmem>>
        %dma_start3A_145 = arith.constant 0 : i32
        %dma_start3A_146 = tpu.memref_slice %arg4[%add3A_140, %dma_start3A_145] : memref<2560x125xi32, #tpu.memory_space<hbm>> -> memref<1x125xi32, #tpu.memory_space<hbm>>
        %dma_start3A_147 = tpu.memref_squeeze %dma_start3A_146 : memref<1x125xi32, #tpu.memory_space<hbm>> -> memref<125xi32, #tpu.memory_space<hbm>>
        %dma_start3A_148 = arith.constant 0 : i32
        %dma_start3A_149 = tpu.memref_slice %arg8[%dma_start3A_141, %dma_start3A_148] : memref<2x125xi32, #tpu.memory_space<vmem>> -> memref<1x125xi32, #tpu.memory_space<vmem>>
        %dma_start3A_150 = tpu.memref_squeeze %dma_start3A_149 : memref<1x125xi32, #tpu.memory_space<vmem>> -> memref<125xi32, #tpu.memory_space<vmem>>
        %dma_start3A_151 = arith.constant 0 : i32
        %dma_start3A_152 = tpu.memref_slice %arg4[%add3A_140, %dma_start3A_151] : memref<2560x125xi32, #tpu.memory_space<hbm>> -> memref<1x125xi32, #tpu.memory_space<hbm>>
        %dma_start3A_153 = tpu.memref_squeeze %dma_start3A_152 : memref<1x125xi32, #tpu.memory_space<hbm>> -> memref<125xi32, #tpu.memory_space<hbm>>
        tpu.enqueue_dma source(%dma_start3A_153 : memref<125xi32, #tpu.memory_space<hbm>>) target(%dma_start3A_150 : memref<125xi32, #tpu.memory_space<vmem>>) target_semaphore(%arg13 : memref<!tpu.dma_semaphore, #tpu.memory_space<semaphore_mem>>)
        %add3A_154 = arith.constant 2 : i32
        %add3A_155 = arith.addi %add3A_77, %add3A_154 : i32
        %dma_start3A_156 = arith.constant 0 : i32
        %dma_start3A_157 = tpu.memref_slice %arg7[%add3A_155, %dma_start3A_156] : memref<80x125xi32, #tpu.memory_space<vmem>> -> memref<1x125xi32, #tpu.memory_space<vmem>>
        %dma_start3A_158 = tpu.memref_squeeze %dma_start3A_157 : memref<1x125xi32, #tpu.memory_space<vmem>> -> memref<125xi32, #tpu.memory_space<vmem>>
        %dma_start3A_159 = arith.constant 0 : i32
        %dma_start3A_160 = arith.constant 0 : i32
        %dma_start3A_161 = tpu.memref_slice %arg2[%dma_start3A_159, %dma_start3A_160] : memref<10000x128xf32, #tpu.memory_space<hbm>> -> memref<10000x128xf32, #tpu.memory_space<hbm>>
        tpu.enqueue_indirect_dma source(%dma_start3A_161 : memref<10000x128xf32, #tpu.memory_space<hbm>>) target(%arg9 : memref<125x128xf32, #tpu.memory_space<vmem>>) offsets(%dma_start3A_158 : memref<125xi32, #tpu.memory_space<vmem>>) semaphore(%arg11 : memref<!tpu.dma_semaphore, #tpu.memory_space<semaphore_mem>>)
      } else {
      }
      %mul3A_105 = arith.constant 2 : i32
      %mul3A_106 = arith.muli %scan3A_73, %mul3A_105 : i32
      %add3A_107 = arith.constant 1 : i32
      %add3A_108 = arith.addi %mul3A_106, %add3A_107 : i32
      %add3A_109 = arith.constant 1 : i32
      %add3A_110 = arith.addi %mul3A_10, %add3A_109 : i32
      %dma_wait3A_111 = arith.constant 1 : i32
      %dma_wait3A_112 = arith.constant 0 : i32
      %dma_wait3A_113 = tpu.memref_slice %arg8[%dma_wait3A_111, %dma_wait3A_112] : memref<2x125xi32, #tpu.memory_space<vmem>> -> memref<1x125xi32, #tpu.memory_space<vmem>>
      %dma_wait3A_114 = tpu.memref_squeeze %dma_wait3A_113 : memref<1x125xi32, #tpu.memory_space<vmem>> -> memref<125xi32, #tpu.memory_space<vmem>>
      %dma_wait3A_115 = arith.constant 0 : i32
      %dma_wait3A_116 = tpu.memref_slice %arg4[%add3A_110, %dma_wait3A_115] : memref<2560x125xi32, #tpu.memory_space<hbm>> -> memref<1x125xi32, #tpu.memory_space<hbm>>
      %dma_wait3A_117 = tpu.memref_squeeze %dma_wait3A_116 : memref<1x125xi32, #tpu.memory_space<hbm>> -> memref<125xi32, #tpu.memory_space<hbm>>
      %dma_wait3A_118 = arith.constant 0 : i32
      %dma_wait3A_119 = tpu.memref_slice %arg8[%dma_wait3A_111, %dma_wait3A_118] : memref<2x125xi32, #tpu.memory_space<vmem>> -> memref<1x125xi32, #tpu.memory_space<vmem>>
      %dma_wait3A_120 = tpu.memref_squeeze %dma_wait3A_119 : memref<1x125xi32, #tpu.memory_space<vmem>> -> memref<125xi32, #tpu.memory_space<vmem>>
      %dma_wait3A_121 = arith.constant 0 : i32
      %dma_wait3A_122 = tpu.memref_slice %arg4[%add3A_110, %dma_wait3A_121] : memref<2560x125xi32, #tpu.memory_space<hbm>> -> memref<1x125xi32, #tpu.memory_space<hbm>>
      %dma_wait3A_123 = tpu.memref_squeeze %dma_wait3A_122 : memref<1x125xi32, #tpu.memory_space<hbm>> -> memref<125xi32, #tpu.memory_space<hbm>>
      tpu.wait_dma2 semaphore(%arg14 : memref<!tpu.dma_semaphore, #tpu.memory_space<semaphore_mem>>) src(%dma_wait3A_123 : memref<125xi32, #tpu.memory_space<hbm>>) dst(%dma_wait3A_120 : memref<125xi32, #tpu.memory_space<vmem>>)
      %dma_wait3A_124 = arith.constant 0 : i32
      %dma_wait3A_125 = tpu.memref_slice %arg7[%add3A_108, %dma_wait3A_124] : memref<80x125xi32, #tpu.memory_space<vmem>> -> memref<1x125xi32, #tpu.memory_space<vmem>>
      %dma_wait3A_126 = tpu.memref_squeeze %dma_wait3A_125 : memref<1x125xi32, #tpu.memory_space<vmem>> -> memref<125xi32, #tpu.memory_space<vmem>>
      %dma_wait3A_127 = arith.constant 0 : i32
      %dma_wait3A_128 = arith.constant 0 : i32
      %dma_wait3A_129 = tpu.memref_slice %arg2[%dma_wait3A_127, %dma_wait3A_128] : memref<10000x128xf32, #tpu.memory_space<hbm>> -> memref<10000x128xf32, #tpu.memory_space<hbm>>
      tpu.wait_indirect_dma semaphore(%arg12 : memref<!tpu.dma_semaphore, #tpu.memory_space<semaphore_mem>>) src(%dma_wait3A_129 : memref<10000x128xf32, #tpu.memory_space<hbm>>) dst(%arg10 : memref<125x128xf32, #tpu.memory_space<vmem>>)
      %run_scoped3A_130 = arith.constant 1 : i32
      "tpu.region"() ({
        %run_scoped3A_138 = tpu.sem_alloc : memref<!tpu.dma_semaphore, #tpu.memory_space<semaphore_mem>>
        %dma_start3A_139 = arith.constant 0 : i32
        %dma_start3A_140 = tpu.memref_slice %arg8[%run_scoped3A_130, %dma_start3A_139] : memref<2x125xi32, #tpu.memory_space<vmem>> -> memref<1x125xi32, #tpu.memory_space<vmem>>
        %dma_start3A_141 = tpu.memref_squeeze %dma_start3A_140 : memref<1x125xi32, #tpu.memory_space<vmem>> -> memref<125xi32, #tpu.memory_space<vmem>>
        %dma_start3A_142 = arith.constant 0 : i32
        %dma_start3A_143 = arith.constant 0 : i32
        %dma_start3A_144 = tpu.memref_slice %arg15[%dma_start3A_142, %dma_start3A_143] : memref<10000x128xf32, #tpu.memory_space<vmem_shared>> -> memref<10000x128xf32, #tpu.memory_space<vmem_shared>>
        tpu.enqueue_indirect_dma source(%arg10 : memref<125x128xf32, #tpu.memory_space<vmem>>) target(%dma_start3A_144 : memref<10000x128xf32, #tpu.memory_space<vmem_shared>>) offsets(%dma_start3A_141 : memref<125xi32, #tpu.memory_space<vmem>>) semaphore(%run_scoped3A_138 : memref<!tpu.dma_semaphore, #tpu.memory_space<semaphore_mem>>) {add = true}
        %dma_wait3A_145 = arith.constant 0 : i32
        %dma_wait3A_146 = tpu.memref_slice %arg8[%run_scoped3A_130, %dma_wait3A_145] : memref<2x125xi32, #tpu.memory_space<vmem>> -> memref<1x125xi32, #tpu.memory_space<vmem>>
        %dma_wait3A_147 = tpu.memref_squeeze %dma_wait3A_146 : memref<1x125xi32, #tpu.memory_space<vmem>> -> memref<125xi32, #tpu.memory_space<vmem>>
        %dma_wait3A_148 = arith.constant 0 : i32
        %dma_wait3A_149 = arith.constant 0 : i32
        %dma_wait3A_150 = tpu.memref_slice %arg15[%dma_wait3A_148, %dma_wait3A_149] : memref<10000x128xf32, #tpu.memory_space<vmem_shared>> -> memref<10000x128xf32, #tpu.memory_space<vmem_shared>>
        tpu.wait_indirect_dma semaphore(%run_scoped3A_138 : memref<!tpu.dma_semaphore, #tpu.memory_space<semaphore_mem>>) src(%arg10 : memref<125x128xf32, #tpu.memory_space<vmem>>) dst(%dma_wait3A_150 : memref<10000x128xf32, #tpu.memory_space<vmem_shared>>)
        tpu.yield
      }) : () -> ()
      %add3A_131 = arith.constant 2 : i32
      %add3A_132 = arith.addi %add3A_108, %add3A_131 : i32
      %lt3A_133 = arith.constant 80 : i32
      %lt3A_134 = arith.cmpi slt, %add3A_132, %lt3A_133 : i32
      %convert_element_type3A_135 = arith.extui %lt3A_134 : i1 to i32
      %cond3A_136 = arith.constant 0 : i32
      %cond3A_137 = arith.cmpi ne, %convert_element_type3A_135, %cond3A_136 : i32
      scf.if %cond3A_137 {
        %add3A_138 = arith.addi %mul3A_10, %add3A_108 : i32
        %add3A_139 = arith.constant 2 : i32
        %add3A_140 = arith.addi %add3A_138, %add3A_139 : i32
        %dma_start3A_141 = arith.constant 1 : i32
        %dma_start3A_142 = arith.constant 0 : i32
        %dma_start3A_143 = tpu.memref_slice %arg8[%dma_start3A_141, %dma_start3A_142] : memref<2x125xi32, #tpu.memory_space<vmem>> -> memref<1x125xi32, #tpu.memory_space<vmem>>
        %dma_start3A_144 = tpu.memref_squeeze %dma_start3A_143 : memref<1x125xi32, #tpu.memory_space<vmem>> -> memref<125xi32, #tpu.memory_space<vmem>>
        %dma_start3A_145 = arith.constant 0 : i32
        %dma_start3A_146 = tpu.memref_slice %arg4[%add3A_140, %dma_start3A_145] : memref<2560x125xi32, #tpu.memory_space<hbm>> -> memref<1x125xi32, #tpu.memory_space<hbm>>
        %dma_start3A_147 = tpu.memref_squeeze %dma_start3A_146 : memref<1x125xi32, #tpu.memory_space<hbm>> -> memref<125xi32, #tpu.memory_space<hbm>>
        %dma_start3A_148 = arith.constant 0 : i32
        %dma_start3A_149 = tpu.memref_slice %arg8[%dma_start3A_141, %dma_start3A_148] : memref<2x125xi32, #tpu.memory_space<vmem>> -> memref<1x125xi32, #tpu.memory_space<vmem>>
        %dma_start3A_150 = tpu.memref_squeeze %dma_start3A_149 : memref<1x125xi32, #tpu.memory_space<vmem>> -> memref<125xi32, #tpu.memory_space<vmem>>
        %dma_start3A_151 = arith.constant 0 : i32
        %dma_start3A_152 = tpu.memref_slice %arg4[%add3A_140, %dma_start3A_151] : memref<2560x125xi32, #tpu.memory_space<hbm>> -> memref<1x125xi32, #tpu.memory_space<hbm>>
        %dma_start3A_153 = tpu.memref_squeeze %dma_start3A_152 : memref<1x125xi32, #tpu.memory_space<hbm>> -> memref<125xi32, #tpu.memory_space<hbm>>
        tpu.enqueue_dma source(%dma_start3A_153 : memref<125xi32, #tpu.memory_space<hbm>>) target(%dma_start3A_150 : memref<125xi32, #tpu.memory_space<vmem>>) target_semaphore(%arg14 : memref<!tpu.dma_semaphore, #tpu.memory_space<semaphore_mem>>)
        %add3A_154 = arith.constant 2 : i32
        %add3A_155 = arith.addi %add3A_108, %add3A_154 : i32
        %dma_start3A_156 = arith.constant 0 : i32
        %dma_start3A_157 = tpu.memref_slice %arg7[%add3A_155, %dma_start3A_156] : memref<80x125xi32, #tpu.memory_space<vmem>> -> memref<1x125xi32, #tpu.memory_space<vmem>>
        %dma_start3A_158 = tpu.memref_squeeze %dma_start3A_157 : memref<1x125xi32, #tpu.memory_space<vmem>> -> memref<125xi32, #tpu.memory_space<vmem>>
        %dma_start3A_159 = arith.constant 0 : i32
        %dma_start3A_160 = arith.constant 0 : i32
        %dma_start3A_161 = tpu.memref_slice %arg2[%dma_start3A_159, %dma_start3A_160] : memref<10000x128xf32, #tpu.memory_space<hbm>> -> memref<10000x128xf32, #tpu.memory_space<hbm>>
        tpu.enqueue_indirect_dma source(%dma_start3A_161 : memref<10000x128xf32, #tpu.memory_space<hbm>>) target(%arg10 : memref<125x128xf32, #tpu.memory_space<vmem>>) offsets(%dma_start3A_158 : memref<125xi32, #tpu.memory_space<vmem>>) semaphore(%arg12 : memref<!tpu.dma_semaphore, #tpu.memory_space<semaphore_mem>>)
      } else {
      }
    }
    %scan3A_58 = arith.constant 40 : i32
    %barrier3A_59 = arith.constant 0 : index
    tpu.barrier barrier_id(%barrier3A_59)
    %mul3A_60 = arith.constant 640 : i32
    %mul3A_61 = arith.muli %arg1, %mul3A_60 : i32
    %multiple_of3A_62 = tpu.assume_multiple %mul3A_61, 8 : i32
    %lt3A_63 = arith.constant 15 : i32
    %lt3A_64 = arith.cmpi slt, %arg1, %lt3A_63 : i32
    %convert_element_type3A_65 = arith.extui %lt3A_64 : i1 to i32
    %cond3A_66 = arith.constant 0 : i32
    %cond3A_67 = arith.cmpi ne, %convert_element_type3A_65, %cond3A_66 : i32
    scf.if %cond3A_67 {
      "tpu.region"() ({
        %run_scoped3A = tpu.sem_alloc : memref<!tpu.dma_semaphore, #tpu.memory_space<semaphore_mem>>
        %dma_start3A_73 = arith.constant 0 : i32
        %dma_start3A_74 = arith.constant 0 : i32
        %dma_start3A_75 = tpu.memref_slice %arg6[%arg0, %dma_start3A_73, %dma_start3A_74] : memref<2x10000x128xf32, #tpu.memory_space<hbm>> -> memref<1x10000x128xf32, #tpu.memory_space<hbm>>
        %dma_start3A_76 = tpu.memref_squeeze %dma_start3A_75 : memref<1x10000x128xf32, #tpu.memory_space<hbm>> -> memref<10000x128xf32, #tpu.memory_space<hbm>>
        %dma_start3A_77 = arith.constant 0 : i32
        %dma_start3A_78 = tpu.memref_slice %dma_start3A_76[%multiple_of3A_62, %dma_start3A_77] : memref<10000x128xf32, #tpu.memory_space<hbm>> -> memref<640x128xf32, #tpu.memory_space<hbm>>
        %dma_start3A_79 = arith.constant 0 : i32
        %dma_start3A_80 = tpu.memref_slice %arg15[%multiple_of3A_62, %dma_start3A_79] : memref<10000x128xf32, #tpu.memory_space<vmem_shared>> -> memref<640x128xf32, #tpu.memory_space<vmem_shared>>
        tpu.enqueue_dma source(%dma_start3A_80 : memref<640x128xf32, #tpu.memory_space<vmem_shared>>) target(%dma_start3A_78 : memref<640x128xf32, #tpu.memory_space<hbm>>) target_semaphore(%run_scoped3A : memref<!tpu.dma_semaphore, #tpu.memory_space<semaphore_mem>>)
        %dma_wait3A = arith.constant 0 : i32
        %dma_wait3A_81 = arith.constant 0 : i32
        %dma_wait3A_82 = tpu.memref_slice %arg6[%arg0, %dma_wait3A, %dma_wait3A_81] : memref<2x10000x128xf32, #tpu.memory_space<hbm>> -> memref<1x10000x128xf32, #tpu.memory_space<hbm>>
        %dma_wait3A_83 = tpu.memref_squeeze %dma_wait3A_82 : memref<1x10000x128xf32, #tpu.memory_space<hbm>> -> memref<10000x128xf32, #tpu.memory_space<hbm>>
        %dma_wait3A_84 = arith.constant 0 : i32
        %dma_wait3A_85 = tpu.memref_slice %dma_wait3A_83[%multiple_of3A_62, %dma_wait3A_84] : memref<10000x128xf32, #tpu.memory_space<hbm>> -> memref<640x128xf32, #tpu.memory_space<hbm>>
        %dma_wait3A_86 = arith.constant 0 : i32
        %dma_wait3A_87 = tpu.memref_slice %arg15[%multiple_of3A_62, %dma_wait3A_86] : memref<10000x128xf32, #tpu.memory_space<vmem_shared>> -> memref<640x128xf32, #tpu.memory_space<vmem_shared>>
        tpu.wait_dma2 semaphore(%run_scoped3A : memref<!tpu.dma_semaphore, #tpu.memory_space<semaphore_mem>>) src(%dma_wait3A_87 : memref<640x128xf32, #tpu.memory_space<vmem_shared>>) dst(%dma_wait3A_85 : memref<640x128xf32, #tpu.memory_space<hbm>>)
        tpu.yield
      }) : () -> ()
    } else {
    }
    %eq3A_68 = arith.constant 15 : i32
    %eq3A_69 = arith.cmpi eq, %arg1, %eq3A_68 : i32
    %convert_element_type3A_70 = arith.extui %eq3A_69 : i1 to i32
    %cond3A_71 = arith.constant 0 : i32
    %cond3A_72 = arith.cmpi ne, %convert_element_type3A_70, %cond3A_71 : i32
    scf.if %cond3A_72 {
      "tpu.region"() ({
        %run_scoped3A = tpu.sem_alloc : memref<!tpu.dma_semaphore, #tpu.memory_space<semaphore_mem>>
        %dma_start3A_73 = arith.constant 0 : i32
        %dma_start3A_74 = arith.constant 0 : i32
        %dma_start3A_75 = tpu.memref_slice %arg6[%arg0, %dma_start3A_73, %dma_start3A_74] : memref<2x10000x128xf32, #tpu.memory_space<hbm>> -> memref<1x10000x128xf32, #tpu.memory_space<hbm>>
        %dma_start3A_76 = tpu.memref_squeeze %dma_start3A_75 : memref<1x10000x128xf32, #tpu.memory_space<hbm>> -> memref<10000x128xf32, #tpu.memory_space<hbm>>
        %dma_start3A_77 = arith.constant 0 : i32
        %dma_start3A_78 = tpu.memref_slice %dma_start3A_76[%multiple_of3A_62, %dma_start3A_77] : memref<10000x128xf32, #tpu.memory_space<hbm>> -> memref<400x128xf32, #tpu.memory_space<hbm>>
        %dma_start3A_79 = arith.constant 0 : i32
        %dma_start3A_80 = tpu.memref_slice %arg15[%multiple_of3A_62, %dma_start3A_79] : memref<10000x128xf32, #tpu.memory_space<vmem_shared>> -> memref<400x128xf32, #tpu.memory_space<vmem_shared>>
        tpu.enqueue_dma source(%dma_start3A_80 : memref<400x128xf32, #tpu.memory_space<vmem_shared>>) target(%dma_start3A_78 : memref<400x128xf32, #tpu.memory_space<hbm>>) target_semaphore(%run_scoped3A : memref<!tpu.dma_semaphore, #tpu.memory_space<semaphore_mem>>)
        %dma_wait3A = arith.constant 0 : i32
        %dma_wait3A_81 = arith.constant 0 : i32
        %dma_wait3A_82 = tpu.memref_slice %arg6[%arg0, %dma_wait3A, %dma_wait3A_81] : memref<2x10000x128xf32, #tpu.memory_space<hbm>> -> memref<1x10000x128xf32, #tpu.memory_space<hbm>>
        %dma_wait3A_83 = tpu.memref_squeeze %dma_wait3A_82 : memref<1x10000x128xf32, #tpu.memory_space<hbm>> -> memref<10000x128xf32, #tpu.memory_space<hbm>>
        %dma_wait3A_84 = arith.constant 0 : i32
        %dma_wait3A_85 = tpu.memref_slice %dma_wait3A_83[%multiple_of3A_62, %dma_wait3A_84] : memref<10000x128xf32, #tpu.memory_space<hbm>> -> memref<400x128xf32, #tpu.memory_space<hbm>>
        %dma_wait3A_86 = arith.constant 0 : i32
        %dma_wait3A_87 = tpu.memref_slice %arg15[%multiple_of3A_62, %dma_wait3A_86] : memref<10000x128xf32, #tpu.memory_space<vmem_shared>> -> memref<400x128xf32, #tpu.memory_space<vmem_shared>>
        tpu.wait_dma2 semaphore(%run_scoped3A : memref<!tpu.dma_semaphore, #tpu.memory_space<semaphore_mem>>) src(%dma_wait3A_87 : memref<400x128xf32, #tpu.memory_space<vmem_shared>>) dst(%dma_wait3A_85 : memref<400x128xf32, #tpu.memory_space<hbm>>)
        tpu.yield
      }) : () -> ()
    } else {
    }
    return
  }
}

#map = affine_map<(d0, d1) -> (0, 0)>
#map1 = affine_map<(d0, d1) -> (0, 0, 0)>
module attributes {stable_mosaic.version = 14 : i64} {
  func.func @_msg_body(%arg0: i32, %arg1: i32, %arg2: memref<10000x128xf32, #tpu.memory_space<hbm>>, %arg3: memref<2560x125xi32, #tpu.memory_space<hbm>>, %arg4: memref<2560x125xi32, #tpu.memory_space<hbm>>, %arg5: memref<10000x128xf32, #tpu.memory_space<hbm>>, %arg6: memref<2x10000x128xf32, #tpu.memory_space<hbm>>, %arg7: memref<80x125xi32, #tpu.memory_space<vmem>>, %arg8: memref<2x125xi32, #tpu.memory_space<vmem>>, %arg9: memref<125x128xf32, #tpu.memory_space<vmem>>, %arg10: memref<125x128xf32, #tpu.memory_space<vmem>>, %arg11: memref<!tpu.dma_semaphore, #tpu.memory_space<semaphore_mem>>, %arg12: memref<!tpu.dma_semaphore, #tpu.memory_space<semaphore_mem>>, %arg13: memref<!tpu.dma_semaphore, #tpu.memory_space<semaphore_mem>>, %arg14: memref<!tpu.dma_semaphore, #tpu.memory_space<semaphore_mem>>, %arg15: memref<10000x128xf32, #tpu.memory_space<vmem_shared>>) attributes {dimension_semantics = [#tpu.dimension_semantics<core_parallel>, #tpu.dimension_semantics<subcore_parallel>], iteration_bounds = array<i64: 2, 16>, scalar_prefetch = 0 : i64, scratch_operands = 9 : i64, tpu.core_type = #tpu.core_type<sc_vector_subcore>, window_params = [{transform_indices = #map}, {transform_indices = #map}, {transform_indices = #map}, {transform_indices = #map}, {transform_indices = #map1}]} {
    %mul3A = arith.constant 16 : i32
    %mul3A_0 = arith.muli %arg0, %mul3A : i32
    %add3A = arith.addi %mul3A_0, %arg1 : i32
    %mul3A_1 = arith.constant 640 : i32
    %mul3A_2 = arith.muli %arg1, %mul3A_1 : i32
    %multiple_of3A = tpu.assume_multiple %mul3A_2, 8 : i32
    %lt3A = arith.constant 15 : i32
    %lt3A_3 = arith.cmpi slt, %arg1, %lt3A : i32
    %convert_element_type3A = arith.extui %lt3A_3 : i1 to i32
    %cond3A = arith.constant 0 : i32
    %cond3A_4 = arith.cmpi ne, %convert_element_type3A, %cond3A : i32
    scf.if %cond3A_4 {
      "tpu.region"() ({
        %run_scoped3A = tpu.sem_alloc : memref<!tpu.dma_semaphore, #tpu.memory_space<semaphore_mem>>
        %dma_start3A_73 = arith.constant 0 : i32
        %dma_start3A_74 = tpu.memref_slice %arg15[%multiple_of3A, %dma_start3A_73] : memref<10000x128xf32, #tpu.memory_space<vmem_shared>> -> memref<640x128xf32, #tpu.memory_space<vmem_shared>>
        %dma_start3A_75 = arith.constant 0 : i32
        %dma_start3A_76 = tpu.memref_slice %arg5[%multiple_of3A, %dma_start3A_75] : memref<10000x128xf32, #tpu.memory_space<hbm>> -> memref<640x128xf32, #tpu.memory_space<hbm>>
        tpu.enqueue_dma source(%dma_start3A_76 : memref<640x128xf32, #tpu.memory_space<hbm>>) target(%dma_start3A_74 : memref<640x128xf32, #tpu.memory_space<vmem_shared>>) target_semaphore(%run_scoped3A : memref<!tpu.dma_semaphore, #tpu.memory_space<semaphore_mem>>)
        %dma_wait3A = arith.constant 0 : i32
        %dma_wait3A_77 = tpu.memref_slice %arg15[%multiple_of3A, %dma_wait3A] : memref<10000x128xf32, #tpu.memory_space<vmem_shared>> -> memref<640x128xf32, #tpu.memory_space<vmem_shared>>
        %dma_wait3A_78 = arith.constant 0 : i32
        %dma_wait3A_79 = tpu.memref_slice %arg5[%multiple_of3A, %dma_wait3A_78] : memref<10000x128xf32, #tpu.memory_space<hbm>> -> memref<640x128xf32, #tpu.memory_space<hbm>>
        tpu.wait_dma2 semaphore(%run_scoped3A : memref<!tpu.dma_semaphore, #tpu.memory_space<semaphore_mem>>) src(%dma_wait3A_79 : memref<640x128xf32, #tpu.memory_space<hbm>>) dst(%dma_wait3A_77 : memref<640x128xf32, #tpu.memory_space<vmem_shared>>)
        tpu.yield
      }) : () -> ()
    } else {
    }
    %eq3A = arith.constant 15 : i32
    %eq3A_5 = arith.cmpi eq, %arg1, %eq3A : i32
    %convert_element_type3A_6 = arith.extui %eq3A_5 : i1 to i32
    %cond3A_7 = arith.constant 0 : i32
    %cond3A_8 = arith.cmpi ne, %convert_element_type3A_6, %cond3A_7 : i32
    scf.if %cond3A_8 {
      "tpu.region"() ({
        %run_scoped3A = tpu.sem_alloc : memref<!tpu.dma_semaphore, #tpu.memory_space<semaphore_mem>>
        %dma_start3A_73 = arith.constant 0 : i32
        %dma_start3A_74 = tpu.memref_slice %arg15[%multiple_of3A, %dma_start3A_73] : memref<10000x128xf32, #tpu.memory_space<vmem_shared>> -> memref<400x128xf32, #tpu.memory_space<vmem_shared>>
        %dma_start3A_75 = arith.constant 0 : i32
        %dma_start3A_76 = tpu.memref_slice %arg5[%multiple_of3A, %dma_start3A_75] : memref<10000x128xf32, #tpu.memory_space<hbm>> -> memref<400x128xf32, #tpu.memory_space<hbm>>
        tpu.enqueue_dma source(%dma_start3A_76 : memref<400x128xf32, #tpu.memory_space<hbm>>) target(%dma_start3A_74 : memref<400x128xf32, #tpu.memory_space<vmem_shared>>) target_semaphore(%run_scoped3A : memref<!tpu.dma_semaphore, #tpu.memory_space<semaphore_mem>>)
        %dma_wait3A = arith.constant 0 : i32
        %dma_wait3A_77 = tpu.memref_slice %arg15[%multiple_of3A, %dma_wait3A] : memref<10000x128xf32, #tpu.memory_space<vmem_shared>> -> memref<400x128xf32, #tpu.memory_space<vmem_shared>>
        %dma_wait3A_78 = arith.constant 0 : i32
        %dma_wait3A_79 = tpu.memref_slice %arg5[%multiple_of3A, %dma_wait3A_78] : memref<10000x128xf32, #tpu.memory_space<hbm>> -> memref<400x128xf32, #tpu.memory_space<hbm>>
        tpu.wait_dma2 semaphore(%run_scoped3A : memref<!tpu.dma_semaphore, #tpu.memory_space<semaphore_mem>>) src(%dma_wait3A_79 : memref<400x128xf32, #tpu.memory_space<hbm>>) dst(%dma_wait3A_77 : memref<400x128xf32, #tpu.memory_space<vmem_shared>>)
        tpu.yield
      }) : () -> ()
    } else {
    }
    %mul3A_9 = arith.constant 80 : i32
    %mul3A_10 = arith.muli %add3A, %mul3A_9 : i32
    "tpu.region"() ({
      %run_scoped3A = tpu.sem_alloc : memref<!tpu.dma_semaphore, #tpu.memory_space<semaphore_mem>>
      %dma_start3A_73 = arith.constant 0 : i32
      %dma_start3A_74 = tpu.memref_slice %arg3[%mul3A_10, %dma_start3A_73] : memref<2560x125xi32, #tpu.memory_space<hbm>> -> memref<80x125xi32, #tpu.memory_space<hbm>>
      %dma_start3A_75 = arith.constant 0 : i32
      %dma_start3A_76 = tpu.memref_slice %arg3[%mul3A_10, %dma_start3A_75] : memref<2560x125xi32, #tpu.memory_space<hbm>> -> memref<80x125xi32, #tpu.memory_space<hbm>>
      tpu.enqueue_dma source(%dma_start3A_76 : memref<80x125xi32, #tpu.memory_space<hbm>>) target(%arg7 : memref<80x125xi32, #tpu.memory_space<vmem>>) target_semaphore(%run_scoped3A : memref<!tpu.dma_semaphore, #tpu.memory_space<semaphore_mem>>)
      %dma_wait3A = arith.constant 0 : i32
      %dma_wait3A_77 = tpu.memref_slice %arg3[%mul3A_10, %dma_wait3A] : memref<2560x125xi32, #tpu.memory_space<hbm>> -> memref<80x125xi32, #tpu.memory_space<hbm>>
      %dma_wait3A_78 = arith.constant 0 : i32
      %dma_wait3A_79 = tpu.memref_slice %arg3[%mul3A_10, %dma_wait3A_78] : memref<2560x125xi32, #tpu.memory_space<hbm>> -> memref<80x125xi32, #tpu.memory_space<hbm>>
      tpu.wait_dma2 semaphore(%run_scoped3A : memref<!tpu.dma_semaphore, #tpu.memory_space<semaphore_mem>>) src(%dma_wait3A_79 : memref<80x125xi32, #tpu.memory_space<hbm>>) dst(%arg7 : memref<80x125xi32, #tpu.memory_space<vmem>>)
      tpu.yield
    }) : () -> ()
    %barrier3A = arith.constant 0 : index
    tpu.barrier barrier_id(%barrier3A)
    %add3A_11 = arith.constant 0 : i32
    %add3A_12 = arith.addi %mul3A_10, %add3A_11 : i32
    %dma_start3A = arith.constant 0 : i32
    %dma_start3A_13 = arith.constant 0 : i32
    %dma_start3A_14 = tpu.memref_slice %arg8[%dma_start3A, %dma_start3A_13] : memref<2x125xi32, #tpu.memory_space<vmem>> -> memref<1x125xi32, #tpu.memory_space<vmem>>
    %dma_start3A_15 = tpu.memref_squeeze %dma_start3A_14 : memref<1x125xi32, #tpu.memory_space<vmem>> -> memref<125xi32, #tpu.memory_space<vmem>>
    %dma_start3A_16 = arith.constant 0 : i32
    %dma_start3A_17 = tpu.memref_slice %arg4[%add3A_12, %dma_start3A_16] : memref<2560x125xi32, #tpu.memory_space<hbm>> -> memref<1x125xi32, #tpu.memory_space<hbm>>
    %dma_start3A_18 = tpu.memref_squeeze %dma_start3A_17 : memref<1x125xi32, #tpu.memory_space<hbm>> -> memref<125xi32, #tpu.memory_space<hbm>>
    %dma_start3A_19 = arith.constant 0 : i32
    %dma_start3A_20 = tpu.memref_slice %arg8[%dma_start3A, %dma_start3A_19] : memref<2x125xi32, #tpu.memory_space<vmem>> -> memref<1x125xi32, #tpu.memory_space<vmem>>
    %dma_start3A_21 = tpu.memref_squeeze %dma_start3A_20 : memref<1x125xi32, #tpu.memory_space<vmem>> -> memref<125xi32, #tpu.memory_space<vmem>>
    %dma_start3A_22 = arith.constant 0 : i32
    %dma_start3A_23 = tpu.memref_slice %arg4[%add3A_12, %dma_start3A_22] : memref<2560x125xi32, #tpu.memory_space<hbm>> -> memref<1x125xi32, #tpu.memory_space<hbm>>
    %dma_start3A_24 = tpu.memref_squeeze %dma_start3A_23 : memref<1x125xi32, #tpu.memory_space<hbm>> -> memref<125xi32, #tpu.memory_space<hbm>>
    tpu.enqueue_dma source(%dma_start3A_24 : memref<125xi32, #tpu.memory_space<hbm>>) target(%dma_start3A_21 : memref<125xi32, #tpu.memory_space<vmem>>) target_semaphore(%arg13 : memref<!tpu.dma_semaphore, #tpu.memory_space<semaphore_mem>>)
    %dma_start3A_25 = arith.constant 0 : i32
    %dma_start3A_26 = arith.constant 0 : i32
    %dma_start3A_27 = tpu.memref_slice %arg7[%dma_start3A_25, %dma_start3A_26] : memref<80x125xi32, #tpu.memory_space<vmem>> -> memref<1x125xi32, #tpu.memory_space<vmem>>
    %dma_start3A_28 = tpu.memref_squeeze %dma_start3A_27 : memref<1x125xi32, #tpu.memory_space<vmem>> -> memref<125xi32, #tpu.memory_space<vmem>>
    %dma_start3A_29 = arith.constant 0 : i32
    %dma_start3A_30 = arith.constant 0 : i32
    %dma_start3A_31 = tpu.memref_slice %arg2[%dma_start3A_29, %dma_start3A_30] : memref<10000x128xf32, #tpu.memory_space<hbm>> -> memref<10000x128xf32, #tpu.memory_space<hbm>>
    tpu.enqueue_indirect_dma source(%dma_start3A_31 : memref<10000x128xf32, #tpu.memory_space<hbm>>) target(%arg9 : memref<125x128xf32, #tpu.memory_space<vmem>>) offsets(%dma_start3A_28 : memref<125xi32, #tpu.memory_space<vmem>>) semaphore(%arg11 : memref<!tpu.dma_semaphore, #tpu.memory_space<semaphore_mem>>)
    %add3A_32 = arith.constant 1 : i32
    %add3A_33 = arith.addi %mul3A_10, %add3A_32 : i32
    %dma_start3A_34 = arith.constant 1 : i32
    %dma_start3A_35 = arith.constant 0 : i32
    %dma_start3A_36 = tpu.memref_slice %arg8[%dma_start3A_34, %dma_start3A_35] : memref<2x125xi32, #tpu.memory_space<vmem>> -> memref<1x125xi32, #tpu.memory_space<vmem>>
    %dma_start3A_37 = tpu.memref_squeeze %dma_start3A_36 : memref<1x125xi32, #tpu.memory_space<vmem>> -> memref<125xi32, #tpu.memory_space<vmem>>
    %dma_start3A_38 = arith.constant 0 : i32
    %dma_start3A_39 = tpu.memref_slice %arg4[%add3A_33, %dma_start3A_38] : memref<2560x125xi32, #tpu.memory_space<hbm>> -> memref<1x125xi32, #tpu.memory_space<hbm>>
    %dma_start3A_40 = tpu.memref_squeeze %dma_start3A_39 : memref<1x125xi32, #tpu.memory_space<hbm>> -> memref<125xi32, #tpu.memory_space<hbm>>
    %dma_start3A_41 = arith.constant 0 : i32
    %dma_start3A_42 = tpu.memref_slice %arg8[%dma_start3A_34, %dma_start3A_41] : memref<2x125xi32, #tpu.memory_space<vmem>> -> memref<1x125xi32, #tpu.memory_space<vmem>>
    %dma_start3A_43 = tpu.memref_squeeze %dma_start3A_42 : memref<1x125xi32, #tpu.memory_space<vmem>> -> memref<125xi32, #tpu.memory_space<vmem>>
    %dma_start3A_44 = arith.constant 0 : i32
    %dma_start3A_45 = tpu.memref_slice %arg4[%add3A_33, %dma_start3A_44] : memref<2560x125xi32, #tpu.memory_space<hbm>> -> memref<1x125xi32, #tpu.memory_space<hbm>>
    %dma_start3A_46 = tpu.memref_squeeze %dma_start3A_45 : memref<1x125xi32, #tpu.memory_space<hbm>> -> memref<125xi32, #tpu.memory_space<hbm>>
    tpu.enqueue_dma source(%dma_start3A_46 : memref<125xi32, #tpu.memory_space<hbm>>) target(%dma_start3A_43 : memref<125xi32, #tpu.memory_space<vmem>>) target_semaphore(%arg14 : memref<!tpu.dma_semaphore, #tpu.memory_space<semaphore_mem>>)
    %dma_start3A_47 = arith.constant 1 : i32
    %dma_start3A_48 = arith.constant 0 : i32
    %dma_start3A_49 = tpu.memref_slice %arg7[%dma_start3A_47, %dma_start3A_48] : memref<80x125xi32, #tpu.memory_space<vmem>> -> memref<1x125xi32, #tpu.memory_space<vmem>>
    %dma_start3A_50 = tpu.memref_squeeze %dma_start3A_49 : memref<1x125xi32, #tpu.memory_space<vmem>> -> memref<125xi32, #tpu.memory_space<vmem>>
    %dma_start3A_51 = arith.constant 0 : i32
    %dma_start3A_52 = arith.constant 0 : i32
    %dma_start3A_53 = tpu.memref_slice %arg2[%dma_start3A_51, %dma_start3A_52] : memref<10000x128xf32, #tpu.memory_space<hbm>> -> memref<10000x128xf32, #tpu.memory_space<hbm>>
    tpu.enqueue_indirect_dma source(%dma_start3A_53 : memref<10000x128xf32, #tpu.memory_space<hbm>>) target(%arg10 : memref<125x128xf32, #tpu.memory_space<vmem>>) offsets(%dma_start3A_50 : memref<125xi32, #tpu.memory_space<vmem>>) semaphore(%arg12 : memref<!tpu.dma_semaphore, #tpu.memory_space<semaphore_mem>>)
    %scan3A = arith.constant 0 : i32
    %scan3A_54 = arith.constant 0 : i32
    %scan3A_55 = arith.constant 40 : i32
    %scan3A_56 = arith.addi %scan3A_54, %scan3A_55 : i32
    %scan3A_57 = arith.constant 1 : i32
    scf.for %scan3A_73 = %scan3A_54 to %scan3A_56 step %scan3A_57  : i32 {
      %mul3A_74 = arith.constant 2 : i32
      %mul3A_75 = arith.muli %scan3A_73, %mul3A_74 : i32
      %add3A_76 = arith.constant 0 : i32
      %add3A_77 = arith.addi %mul3A_75, %add3A_76 : i32
      %add3A_78 = arith.constant 0 : i32
      %add3A_79 = arith.addi %mul3A_10, %add3A_78 : i32
      %dma_wait3A = arith.constant 0 : i32
      %dma_wait3A_80 = arith.constant 0 : i32
      %dma_wait3A_81 = tpu.memref_slice %arg8[%dma_wait3A, %dma_wait3A_80] : memref<2x125xi32, #tpu.memory_space<vmem>> -> memref<1x125xi32, #tpu.memory_space<vmem>>
      %dma_wait3A_82 = tpu.memref_squeeze %dma_wait3A_81 : memref<1x125xi32, #tpu.memory_space<vmem>> -> memref<125xi32, #tpu.memory_space<vmem>>
      %dma_wait3A_83 = arith.constant 0 : i32
      %dma_wait3A_84 = tpu.memref_slice %arg4[%add3A_79, %dma_wait3A_83] : memref<2560x125xi32, #tpu.memory_space<hbm>> -> memref<1x125xi32, #tpu.memory_space<hbm>>
      %dma_wait3A_85 = tpu.memref_squeeze %dma_wait3A_84 : memref<1x125xi32, #tpu.memory_space<hbm>> -> memref<125xi32, #tpu.memory_space<hbm>>
      %dma_wait3A_86 = arith.constant 0 : i32
      %dma_wait3A_87 = tpu.memref_slice %arg8[%dma_wait3A, %dma_wait3A_86] : memref<2x125xi32, #tpu.memory_space<vmem>> -> memref<1x125xi32, #tpu.memory_space<vmem>>
      %dma_wait3A_88 = tpu.memref_squeeze %dma_wait3A_87 : memref<1x125xi32, #tpu.memory_space<vmem>> -> memref<125xi32, #tpu.memory_space<vmem>>
      %dma_wait3A_89 = arith.constant 0 : i32
      %dma_wait3A_90 = tpu.memref_slice %arg4[%add3A_79, %dma_wait3A_89] : memref<2560x125xi32, #tpu.memory_space<hbm>> -> memref<1x125xi32, #tpu.memory_space<hbm>>
      %dma_wait3A_91 = tpu.memref_squeeze %dma_wait3A_90 : memref<1x125xi32, #tpu.memory_space<hbm>> -> memref<125xi32, #tpu.memory_space<hbm>>
      tpu.wait_dma2 semaphore(%arg13 : memref<!tpu.dma_semaphore, #tpu.memory_space<semaphore_mem>>) src(%dma_wait3A_91 : memref<125xi32, #tpu.memory_space<hbm>>) dst(%dma_wait3A_88 : memref<125xi32, #tpu.memory_space<vmem>>)
      %dma_wait3A_92 = arith.constant 0 : i32
      %dma_wait3A_93 = tpu.memref_slice %arg7[%add3A_77, %dma_wait3A_92] : memref<80x125xi32, #tpu.memory_space<vmem>> -> memref<1x125xi32, #tpu.memory_space<vmem>>
      %dma_wait3A_94 = tpu.memref_squeeze %dma_wait3A_93 : memref<1x125xi32, #tpu.memory_space<vmem>> -> memref<125xi32, #tpu.memory_space<vmem>>
      %dma_wait3A_95 = arith.constant 0 : i32
      %dma_wait3A_96 = arith.constant 0 : i32
      %dma_wait3A_97 = tpu.memref_slice %arg2[%dma_wait3A_95, %dma_wait3A_96] : memref<10000x128xf32, #tpu.memory_space<hbm>> -> memref<10000x128xf32, #tpu.memory_space<hbm>>
      tpu.wait_indirect_dma semaphore(%arg11 : memref<!tpu.dma_semaphore, #tpu.memory_space<semaphore_mem>>) src(%dma_wait3A_97 : memref<10000x128xf32, #tpu.memory_space<hbm>>) dst(%arg9 : memref<125x128xf32, #tpu.memory_space<vmem>>)
      %run_scoped3A = arith.constant 0 : i32
      "tpu.region"() ({
        %run_scoped3A_138 = tpu.sem_alloc : memref<!tpu.dma_semaphore, #tpu.memory_space<semaphore_mem>>
        %dma_start3A_139 = arith.constant 0 : i32
        %dma_start3A_140 = tpu.memref_slice %arg8[%run_scoped3A, %dma_start3A_139] : memref<2x125xi32, #tpu.memory_space<vmem>> -> memref<1x125xi32, #tpu.memory_space<vmem>>
        %dma_start3A_141 = tpu.memref_squeeze %dma_start3A_140 : memref<1x125xi32, #tpu.memory_space<vmem>> -> memref<125xi32, #tpu.memory_space<vmem>>
        %dma_start3A_142 = arith.constant 0 : i32
        %dma_start3A_143 = arith.constant 0 : i32
        %dma_start3A_144 = tpu.memref_slice %arg15[%dma_start3A_142, %dma_start3A_143] : memref<10000x128xf32, #tpu.memory_space<vmem_shared>> -> memref<10000x128xf32, #tpu.memory_space<vmem_shared>>
        tpu.enqueue_indirect_dma source(%arg9 : memref<125x128xf32, #tpu.memory_space<vmem>>) target(%dma_start3A_144 : memref<10000x128xf32, #tpu.memory_space<vmem_shared>>) offsets(%dma_start3A_141 : memref<125xi32, #tpu.memory_space<vmem>>) semaphore(%run_scoped3A_138 : memref<!tpu.dma_semaphore, #tpu.memory_space<semaphore_mem>>) {add = true}
        %dma_wait3A_145 = arith.constant 0 : i32
        %dma_wait3A_146 = tpu.memref_slice %arg8[%run_scoped3A, %dma_wait3A_145] : memref<2x125xi32, #tpu.memory_space<vmem>> -> memref<1x125xi32, #tpu.memory_space<vmem>>
        %dma_wait3A_147 = tpu.memref_squeeze %dma_wait3A_146 : memref<1x125xi32, #tpu.memory_space<vmem>> -> memref<125xi32, #tpu.memory_space<vmem>>
        %dma_wait3A_148 = arith.constant 0 : i32
        %dma_wait3A_149 = arith.constant 0 : i32
        %dma_wait3A_150 = tpu.memref_slice %arg15[%dma_wait3A_148, %dma_wait3A_149] : memref<10000x128xf32, #tpu.memory_space<vmem_shared>> -> memref<10000x128xf32, #tpu.memory_space<vmem_shared>>
        tpu.wait_indirect_dma semaphore(%run_scoped3A_138 : memref<!tpu.dma_semaphore, #tpu.memory_space<semaphore_mem>>) src(%arg9 : memref<125x128xf32, #tpu.memory_space<vmem>>) dst(%dma_wait3A_150 : memref<10000x128xf32, #tpu.memory_space<vmem_shared>>)
        tpu.yield
      }) : () -> ()
      %add3A_98 = arith.constant 2 : i32
      %add3A_99 = arith.addi %add3A_77, %add3A_98 : i32
      %lt3A_100 = arith.constant 80 : i32
      %lt3A_101 = arith.cmpi slt, %add3A_99, %lt3A_100 : i32
      %convert_element_type3A_102 = arith.extui %lt3A_101 : i1 to i32
      %cond3A_103 = arith.constant 0 : i32
      %cond3A_104 = arith.cmpi ne, %convert_element_type3A_102, %cond3A_103 : i32
      scf.if %cond3A_104 {
        %add3A_138 = arith.addi %mul3A_10, %add3A_77 : i32
        %add3A_139 = arith.constant 2 : i32
        %add3A_140 = arith.addi %add3A_138, %add3A_139 : i32
        %dma_start3A_141 = arith.constant 0 : i32
        %dma_start3A_142 = arith.constant 0 : i32
        %dma_start3A_143 = tpu.memref_slice %arg8[%dma_start3A_141, %dma_start3A_142] : memref<2x125xi32, #tpu.memory_space<vmem>> -> memref<1x125xi32, #tpu.memory_space<vmem>>
        %dma_start3A_144 = tpu.memref_squeeze %dma_start3A_143 : memref<1x125xi32, #tpu.memory_space<vmem>> -> memref<125xi32, #tpu.memory_space<vmem>>
        %dma_start3A_145 = arith.constant 0 : i32
        %dma_start3A_146 = tpu.memref_slice %arg4[%add3A_140, %dma_start3A_145] : memref<2560x125xi32, #tpu.memory_space<hbm>> -> memref<1x125xi32, #tpu.memory_space<hbm>>
        %dma_start3A_147 = tpu.memref_squeeze %dma_start3A_146 : memref<1x125xi32, #tpu.memory_space<hbm>> -> memref<125xi32, #tpu.memory_space<hbm>>
        %dma_start3A_148 = arith.constant 0 : i32
        %dma_start3A_149 = tpu.memref_slice %arg8[%dma_start3A_141, %dma_start3A_148] : memref<2x125xi32, #tpu.memory_space<vmem>> -> memref<1x125xi32, #tpu.memory_space<vmem>>
        %dma_start3A_150 = tpu.memref_squeeze %dma_start3A_149 : memref<1x125xi32, #tpu.memory_space<vmem>> -> memref<125xi32, #tpu.memory_space<vmem>>
        %dma_start3A_151 = arith.constant 0 : i32
        %dma_start3A_152 = tpu.memref_slice %arg4[%add3A_140, %dma_start3A_151] : memref<2560x125xi32, #tpu.memory_space<hbm>> -> memref<1x125xi32, #tpu.memory_space<hbm>>
        %dma_start3A_153 = tpu.memref_squeeze %dma_start3A_152 : memref<1x125xi32, #tpu.memory_space<hbm>> -> memref<125xi32, #tpu.memory_space<hbm>>
        tpu.enqueue_dma source(%dma_start3A_153 : memref<125xi32, #tpu.memory_space<hbm>>) target(%dma_start3A_150 : memref<125xi32, #tpu.memory_space<vmem>>) target_semaphore(%arg13 : memref<!tpu.dma_semaphore, #tpu.memory_space<semaphore_mem>>)
        %add3A_154 = arith.constant 2 : i32
        %add3A_155 = arith.addi %add3A_77, %add3A_154 : i32
        %dma_start3A_156 = arith.constant 0 : i32
        %dma_start3A_157 = tpu.memref_slice %arg7[%add3A_155, %dma_start3A_156] : memref<80x125xi32, #tpu.memory_space<vmem>> -> memref<1x125xi32, #tpu.memory_space<vmem>>
        %dma_start3A_158 = tpu.memref_squeeze %dma_start3A_157 : memref<1x125xi32, #tpu.memory_space<vmem>> -> memref<125xi32, #tpu.memory_space<vmem>>
        %dma_start3A_159 = arith.constant 0 : i32
        %dma_start3A_160 = arith.constant 0 : i32
        %dma_start3A_161 = tpu.memref_slice %arg2[%dma_start3A_159, %dma_start3A_160] : memref<10000x128xf32, #tpu.memory_space<hbm>> -> memref<10000x128xf32, #tpu.memory_space<hbm>>
        tpu.enqueue_indirect_dma source(%dma_start3A_161 : memref<10000x128xf32, #tpu.memory_space<hbm>>) target(%arg9 : memref<125x128xf32, #tpu.memory_space<vmem>>) offsets(%dma_start3A_158 : memref<125xi32, #tpu.memory_space<vmem>>) semaphore(%arg11 : memref<!tpu.dma_semaphore, #tpu.memory_space<semaphore_mem>>)
      } else {
      }
      %mul3A_105 = arith.constant 2 : i32
      %mul3A_106 = arith.muli %scan3A_73, %mul3A_105 : i32
      %add3A_107 = arith.constant 1 : i32
      %add3A_108 = arith.addi %mul3A_106, %add3A_107 : i32
      %add3A_109 = arith.constant 1 : i32
      %add3A_110 = arith.addi %mul3A_10, %add3A_109 : i32
      %dma_wait3A_111 = arith.constant 1 : i32
      %dma_wait3A_112 = arith.constant 0 : i32
      %dma_wait3A_113 = tpu.memref_slice %arg8[%dma_wait3A_111, %dma_wait3A_112] : memref<2x125xi32, #tpu.memory_space<vmem>> -> memref<1x125xi32, #tpu.memory_space<vmem>>
      %dma_wait3A_114 = tpu.memref_squeeze %dma_wait3A_113 : memref<1x125xi32, #tpu.memory_space<vmem>> -> memref<125xi32, #tpu.memory_space<vmem>>
      %dma_wait3A_115 = arith.constant 0 : i32
      %dma_wait3A_116 = tpu.memref_slice %arg4[%add3A_110, %dma_wait3A_115] : memref<2560x125xi32, #tpu.memory_space<hbm>> -> memref<1x125xi32, #tpu.memory_space<hbm>>
      %dma_wait3A_117 = tpu.memref_squeeze %dma_wait3A_116 : memref<1x125xi32, #tpu.memory_space<hbm>> -> memref<125xi32, #tpu.memory_space<hbm>>
      %dma_wait3A_118 = arith.constant 0 : i32
      %dma_wait3A_119 = tpu.memref_slice %arg8[%dma_wait3A_111, %dma_wait3A_118] : memref<2x125xi32, #tpu.memory_space<vmem>> -> memref<1x125xi32, #tpu.memory_space<vmem>>
      %dma_wait3A_120 = tpu.memref_squeeze %dma_wait3A_119 : memref<1x125xi32, #tpu.memory_space<vmem>> -> memref<125xi32, #tpu.memory_space<vmem>>
      %dma_wait3A_121 = arith.constant 0 : i32
      %dma_wait3A_122 = tpu.memref_slice %arg4[%add3A_110, %dma_wait3A_121] : memref<2560x125xi32, #tpu.memory_space<hbm>> -> memref<1x125xi32, #tpu.memory_space<hbm>>
      %dma_wait3A_123 = tpu.memref_squeeze %dma_wait3A_122 : memref<1x125xi32, #tpu.memory_space<hbm>> -> memref<125xi32, #tpu.memory_space<hbm>>
      tpu.wait_dma2 semaphore(%arg14 : memref<!tpu.dma_semaphore, #tpu.memory_space<semaphore_mem>>) src(%dma_wait3A_123 : memref<125xi32, #tpu.memory_space<hbm>>) dst(%dma_wait3A_120 : memref<125xi32, #tpu.memory_space<vmem>>)
      %dma_wait3A_124 = arith.constant 0 : i32
      %dma_wait3A_125 = tpu.memref_slice %arg7[%add3A_108, %dma_wait3A_124] : memref<80x125xi32, #tpu.memory_space<vmem>> -> memref<1x125xi32, #tpu.memory_space<vmem>>
      %dma_wait3A_126 = tpu.memref_squeeze %dma_wait3A_125 : memref<1x125xi32, #tpu.memory_space<vmem>> -> memref<125xi32, #tpu.memory_space<vmem>>
      %dma_wait3A_127 = arith.constant 0 : i32
      %dma_wait3A_128 = arith.constant 0 : i32
      %dma_wait3A_129 = tpu.memref_slice %arg2[%dma_wait3A_127, %dma_wait3A_128] : memref<10000x128xf32, #tpu.memory_space<hbm>> -> memref<10000x128xf32, #tpu.memory_space<hbm>>
      tpu.wait_indirect_dma semaphore(%arg12 : memref<!tpu.dma_semaphore, #tpu.memory_space<semaphore_mem>>) src(%dma_wait3A_129 : memref<10000x128xf32, #tpu.memory_space<hbm>>) dst(%arg10 : memref<125x128xf32, #tpu.memory_space<vmem>>)
      %run_scoped3A_130 = arith.constant 1 : i32
      "tpu.region"() ({
        %run_scoped3A_138 = tpu.sem_alloc : memref<!tpu.dma_semaphore, #tpu.memory_space<semaphore_mem>>
        %dma_start3A_139 = arith.constant 0 : i32
        %dma_start3A_140 = tpu.memref_slice %arg8[%run_scoped3A_130, %dma_start3A_139] : memref<2x125xi32, #tpu.memory_space<vmem>> -> memref<1x125xi32, #tpu.memory_space<vmem>>
        %dma_start3A_141 = tpu.memref_squeeze %dma_start3A_140 : memref<1x125xi32, #tpu.memory_space<vmem>> -> memref<125xi32, #tpu.memory_space<vmem>>
        %dma_start3A_142 = arith.constant 0 : i32
        %dma_start3A_143 = arith.constant 0 : i32
        %dma_start3A_144 = tpu.memref_slice %arg15[%dma_start3A_142, %dma_start3A_143] : memref<10000x128xf32, #tpu.memory_space<vmem_shared>> -> memref<10000x128xf32, #tpu.memory_space<vmem_shared>>
        tpu.enqueue_indirect_dma source(%arg10 : memref<125x128xf32, #tpu.memory_space<vmem>>) target(%dma_start3A_144 : memref<10000x128xf32, #tpu.memory_space<vmem_shared>>) offsets(%dma_start3A_141 : memref<125xi32, #tpu.memory_space<vmem>>) semaphore(%run_scoped3A_138 : memref<!tpu.dma_semaphore, #tpu.memory_space<semaphore_mem>>) {add = true}
        %dma_wait3A_145 = arith.constant 0 : i32
        %dma_wait3A_146 = tpu.memref_slice %arg8[%run_scoped3A_130, %dma_wait3A_145] : memref<2x125xi32, #tpu.memory_space<vmem>> -> memref<1x125xi32, #tpu.memory_space<vmem>>
        %dma_wait3A_147 = tpu.memref_squeeze %dma_wait3A_146 : memref<1x125xi32, #tpu.memory_space<vmem>> -> memref<125xi32, #tpu.memory_space<vmem>>
        %dma_wait3A_148 = arith.constant 0 : i32
        %dma_wait3A_149 = arith.constant 0 : i32
        %dma_wait3A_150 = tpu.memref_slice %arg15[%dma_wait3A_148, %dma_wait3A_149] : memref<10000x128xf32, #tpu.memory_space<vmem_shared>> -> memref<10000x128xf32, #tpu.memory_space<vmem_shared>>
        tpu.wait_indirect_dma semaphore(%run_scoped3A_138 : memref<!tpu.dma_semaphore, #tpu.memory_space<semaphore_mem>>) src(%arg10 : memref<125x128xf32, #tpu.memory_space<vmem>>) dst(%dma_wait3A_150 : memref<10000x128xf32, #tpu.memory_space<vmem_shared>>)
        tpu.yield
      }) : () -> ()
      %add3A_131 = arith.constant 2 : i32
      %add3A_132 = arith.addi %add3A_108, %add3A_131 : i32
      %lt3A_133 = arith.constant 80 : i32
      %lt3A_134 = arith.cmpi slt, %add3A_132, %lt3A_133 : i32
      %convert_element_type3A_135 = arith.extui %lt3A_134 : i1 to i32
      %cond3A_136 = arith.constant 0 : i32
      %cond3A_137 = arith.cmpi ne, %convert_element_type3A_135, %cond3A_136 : i32
      scf.if %cond3A_137 {
        %add3A_138 = arith.addi %mul3A_10, %add3A_108 : i32
        %add3A_139 = arith.constant 2 : i32
        %add3A_140 = arith.addi %add3A_138, %add3A_139 : i32
        %dma_start3A_141 = arith.constant 1 : i32
        %dma_start3A_142 = arith.constant 0 : i32
        %dma_start3A_143 = tpu.memref_slice %arg8[%dma_start3A_141, %dma_start3A_142] : memref<2x125xi32, #tpu.memory_space<vmem>> -> memref<1x125xi32, #tpu.memory_space<vmem>>
        %dma_start3A_144 = tpu.memref_squeeze %dma_start3A_143 : memref<1x125xi32, #tpu.memory_space<vmem>> -> memref<125xi32, #tpu.memory_space<vmem>>
        %dma_start3A_145 = arith.constant 0 : i32
        %dma_start3A_146 = tpu.memref_slice %arg4[%add3A_140, %dma_start3A_145] : memref<2560x125xi32, #tpu.memory_space<hbm>> -> memref<1x125xi32, #tpu.memory_space<hbm>>
        %dma_start3A_147 = tpu.memref_squeeze %dma_start3A_146 : memref<1x125xi32, #tpu.memory_space<hbm>> -> memref<125xi32, #tpu.memory_space<hbm>>
        %dma_start3A_148 = arith.constant 0 : i32
        %dma_start3A_149 = tpu.memref_slice %arg8[%dma_start3A_141, %dma_start3A_148] : memref<2x125xi32, #tpu.memory_space<vmem>> -> memref<1x125xi32, #tpu.memory_space<vmem>>
        %dma_start3A_150 = tpu.memref_squeeze %dma_start3A_149 : memref<1x125xi32, #tpu.memory_space<vmem>> -> memref<125xi32, #tpu.memory_space<vmem>>
        %dma_start3A_151 = arith.constant 0 : i32
        %dma_start3A_152 = tpu.memref_slice %arg4[%add3A_140, %dma_start3A_151] : memref<2560x125xi32, #tpu.memory_space<hbm>> -> memref<1x125xi32, #tpu.memory_space<hbm>>
        %dma_start3A_153 = tpu.memref_squeeze %dma_start3A_152 : memref<1x125xi32, #tpu.memory_space<hbm>> -> memref<125xi32, #tpu.memory_space<hbm>>
        tpu.enqueue_dma source(%dma_start3A_153 : memref<125xi32, #tpu.memory_space<hbm>>) target(%dma_start3A_150 : memref<125xi32, #tpu.memory_space<vmem>>) target_semaphore(%arg14 : memref<!tpu.dma_semaphore, #tpu.memory_space<semaphore_mem>>)
        %add3A_154 = arith.constant 2 : i32
        %add3A_155 = arith.addi %add3A_108, %add3A_154 : i32
        %dma_start3A_156 = arith.constant 0 : i32
        %dma_start3A_157 = tpu.memref_slice %arg7[%add3A_155, %dma_start3A_156] : memref<80x125xi32, #tpu.memory_space<vmem>> -> memref<1x125xi32, #tpu.memory_space<vmem>>
        %dma_start3A_158 = tpu.memref_squeeze %dma_start3A_157 : memref<1x125xi32, #tpu.memory_space<vmem>> -> memref<125xi32, #tpu.memory_space<vmem>>
        %dma_start3A_159 = arith.constant 0 : i32
        %dma_start3A_160 = arith.constant 0 : i32
        %dma_start3A_161 = tpu.memref_slice %arg2[%dma_start3A_159, %dma_start3A_160] : memref<10000x128xf32, #tpu.memory_space<hbm>> -> memref<10000x128xf32, #tpu.memory_space<hbm>>
        tpu.enqueue_indirect_dma source(%dma_start3A_161 : memref<10000x128xf32, #tpu.memory_space<hbm>>) target(%arg10 : memref<125x128xf32, #tpu.memory_space<vmem>>) offsets(%dma_start3A_158 : memref<125xi32, #tpu.memory_space<vmem>>) semaphore(%arg12 : memref<!tpu.dma_semaphore, #tpu.memory_space<semaphore_mem>>)
      } else {
      }
    }
    %scan3A_58 = arith.constant 40 : i32
    %barrier3A_59 = arith.constant 0 : index
    tpu.barrier barrier_id(%barrier3A_59)
    %mul3A_60 = arith.constant 640 : i32
    %mul3A_61 = arith.muli %arg1, %mul3A_60 : i32
    %multiple_of3A_62 = tpu.assume_multiple %mul3A_61, 8 : i32
    %lt3A_63 = arith.constant 15 : i32
    %lt3A_64 = arith.cmpi slt, %arg1, %lt3A_63 : i32
    %convert_element_type3A_65 = arith.extui %lt3A_64 : i1 to i32
    %cond3A_66 = arith.constant 0 : i32
    %cond3A_67 = arith.cmpi ne, %convert_element_type3A_65, %cond3A_66 : i32
    scf.if %cond3A_67 {
      "tpu.region"() ({
        %run_scoped3A = tpu.sem_alloc : memref<!tpu.dma_semaphore, #tpu.memory_space<semaphore_mem>>
        %dma_start3A_73 = arith.constant 0 : i32
        %dma_start3A_74 = arith.constant 0 : i32
        %dma_start3A_75 = tpu.memref_slice %arg6[%arg0, %dma_start3A_73, %dma_start3A_74] : memref<2x10000x128xf32, #tpu.memory_space<hbm>> -> memref<1x10000x128xf32, #tpu.memory_space<hbm>>
        %dma_start3A_76 = tpu.memref_squeeze %dma_start3A_75 : memref<1x10000x128xf32, #tpu.memory_space<hbm>> -> memref<10000x128xf32, #tpu.memory_space<hbm>>
        %dma_start3A_77 = arith.constant 0 : i32
        %dma_start3A_78 = tpu.memref_slice %dma_start3A_76[%multiple_of3A_62, %dma_start3A_77] : memref<10000x128xf32, #tpu.memory_space<hbm>> -> memref<640x128xf32, #tpu.memory_space<hbm>>
        %dma_start3A_79 = arith.constant 0 : i32
        %dma_start3A_80 = tpu.memref_slice %arg15[%multiple_of3A_62, %dma_start3A_79] : memref<10000x128xf32, #tpu.memory_space<vmem_shared>> -> memref<640x128xf32, #tpu.memory_space<vmem_shared>>
        tpu.enqueue_dma source(%dma_start3A_80 : memref<640x128xf32, #tpu.memory_space<vmem_shared>>) target(%dma_start3A_78 : memref<640x128xf32, #tpu.memory_space<hbm>>) target_semaphore(%run_scoped3A : memref<!tpu.dma_semaphore, #tpu.memory_space<semaphore_mem>>)
        %dma_wait3A = arith.constant 0 : i32
        %dma_wait3A_81 = arith.constant 0 : i32
        %dma_wait3A_82 = tpu.memref_slice %arg6[%arg0, %dma_wait3A, %dma_wait3A_81] : memref<2x10000x128xf32, #tpu.memory_space<hbm>> -> memref<1x10000x128xf32, #tpu.memory_space<hbm>>
        %dma_wait3A_83 = tpu.memref_squeeze %dma_wait3A_82 : memref<1x10000x128xf32, #tpu.memory_space<hbm>> -> memref<10000x128xf32, #tpu.memory_space<hbm>>
        %dma_wait3A_84 = arith.constant 0 : i32
        %dma_wait3A_85 = tpu.memref_slice %dma_wait3A_83[%multiple_of3A_62, %dma_wait3A_84] : memref<10000x128xf32, #tpu.memory_space<hbm>> -> memref<640x128xf32, #tpu.memory_space<hbm>>
        %dma_wait3A_86 = arith.constant 0 : i32
        %dma_wait3A_87 = tpu.memref_slice %arg15[%multiple_of3A_62, %dma_wait3A_86] : memref<10000x128xf32, #tpu.memory_space<vmem_shared>> -> memref<640x128xf32, #tpu.memory_space<vmem_shared>>
        tpu.wait_dma2 semaphore(%run_scoped3A : memref<!tpu.dma_semaphore, #tpu.memory_space<semaphore_mem>>) src(%dma_wait3A_87 : memref<640x128xf32, #tpu.memory_space<vmem_shared>>) dst(%dma_wait3A_85 : memref<640x128xf32, #tpu.memory_space<hbm>>)
        tpu.yield
      }) : () -> ()
    } else {
    }
    %eq3A_68 = arith.constant 15 : i32
    %eq3A_69 = arith.cmpi eq, %arg1, %eq3A_68 : i32
    %convert_element_type3A_70 = arith.extui %eq3A_69 : i1 to i32
    %cond3A_71 = arith.constant 0 : i32
    %cond3A_72 = arith.cmpi ne, %convert_element_type3A_70, %cond3A_71 : i32
    scf.if %cond3A_72 {
      "tpu.region"() ({
        %run_scoped3A = tpu.sem_alloc : memref<!tpu.dma_semaphore, #tpu.memory_space<semaphore_mem>>
        %dma_start3A_73 = arith.constant 0 : i32
        %dma_start3A_74 = arith.constant 0 : i32
        %dma_start3A_75 = tpu.memref_slice %arg6[%arg0, %dma_start3A_73, %dma_start3A_74] : memref<2x10000x128xf32, #tpu.memory_space<hbm>> -> memref<1x10000x128xf32, #tpu.memory_space<hbm>>
        %dma_start3A_76 = tpu.memref_squeeze %dma_start3A_75 : memref<1x10000x128xf32, #tpu.memory_space<hbm>> -> memref<10000x128xf32, #tpu.memory_space<hbm>>
        %dma_start3A_77 = arith.constant 0 : i32
        %dma_start3A_78 = tpu.memref_slice %dma_start3A_76[%multiple_of3A_62, %dma_start3A_77] : memref<10000x128xf32, #tpu.memory_space<hbm>> -> memref<400x128xf32, #tpu.memory_space<hbm>>
        %dma_start3A_79 = arith.constant 0 : i32
        %dma_start3A_80 = tpu.memref_slice %arg15[%multiple_of3A_62, %dma_start3A_79] : memref<10000x128xf32, #tpu.memory_space<vmem_shared>> -> memref<400x128xf32, #tpu.memory_space<vmem_shared>>
        tpu.enqueue_dma source(%dma_start3A_80 : memref<400x128xf32, #tpu.memory_space<vmem_shared>>) target(%dma_start3A_78 : memref<400x128xf32, #tpu.memory_space<hbm>>) target_semaphore(%run_scoped3A : memref<!tpu.dma_semaphore, #tpu.memory_space<semaphore_mem>>)
        %dma_wait3A = arith.constant 0 : i32
        %dma_wait3A_81 = arith.constant 0 : i32
        %dma_wait3A_82 = tpu.memref_slice %arg6[%arg0, %dma_wait3A, %dma_wait3A_81] : memref<2x10000x128xf32, #tpu.memory_space<hbm>> -> memref<1x10000x128xf32, #tpu.memory_space<hbm>>
        %dma_wait3A_83 = tpu.memref_squeeze %dma_wait3A_82 : memref<1x10000x128xf32, #tpu.memory_space<hbm>> -> memref<10000x128xf32, #tpu.memory_space<hbm>>
        %dma_wait3A_84 = arith.constant 0 : i32
        %dma_wait3A_85 = tpu.memref_slice %dma_wait3A_83[%multiple_of3A_62, %dma_wait3A_84] : memref<10000x128xf32, #tpu.memory_space<hbm>> -> memref<400x128xf32, #tpu.memory_space<hbm>>
        %dma_wait3A_86 = arith.constant 0 : i32
        %dma_wait3A_87 = tpu.memref_slice %arg15[%multiple_of3A_62, %dma_wait3A_86] : memref<10000x128xf32, #tpu.memory_space<vmem_shared>> -> memref<400x128xf32, #tpu.memory_space<vmem_shared>>
        tpu.wait_dma2 semaphore(%run_scoped3A : memref<!tpu.dma_semaphore, #tpu.memory_space<semaphore_mem>>) src(%dma_wait3A_87 : memref<400x128xf32, #tpu.memory_space<vmem_shared>>) dst(%dma_wait3A_85 : memref<400x128xf32, #tpu.memory_space<hbm>>)
        tpu.yield
      }) : () -> ()
    } else {
    }
    return
  }
}

module attributes {stable_mosaic.version = 14 : i64} {
  func.func @_mm_body(%arg0: memref<10000x128xf32, #tpu.memory_space<vmem>>, %arg1: memref<128x128xf32, #tpu.memory_space<vmem>>, %arg2: memref<10000x128xf32, #tpu.memory_space<vmem>>) attributes {dimension_semantics = [], scalar_prefetch = 0 : i64, scratch_operands = 0 : i64, tpu.core_type = #tpu.core_type<tc>} {
    %get3A = arith.constant 0 : index
    %get3A_0 = arith.constant 0 : index
    %get3A_1 = vector.load %arg0[%get3A, %get3A_0] : memref<10000x128xf32, #tpu.memory_space<vmem>>, vector<10000x128xf32>
    %get3A_2 = arith.constant 0 : index
    %get3A_3 = arith.constant 0 : index
    %get3A_4 = vector.load %arg1[%get3A_2, %get3A_3] : memref<128x128xf32, #tpu.memory_space<vmem>>, vector<128x128xf32>
    %dot_general3A = arith.constant dense<0.000000e+00> : vector<10000x128xf32>
    %dot_general3A_5 = tpu.matmul %get3A_1, %get3A_4, %dot_general3A {dimension_numbers = #tpu.dot_dimension_numbers<[1], [0], [0], [1], [0, 0, 1, 1], [], []>, transpose_lhs_hint = false} : vector<10000x128xf32>, vector<128x128xf32>, vector<10000x128xf32> -> vector<10000x128xf32>
    %swap3A = arith.constant 0 : index
    %swap3A_6 = arith.constant 0 : index
    %swap3A_7 = vector.load %arg2[%swap3A, %swap3A_6] : memref<10000x128xf32, #tpu.memory_space<vmem>>, vector<10000x128xf32>
    tpu.vector_store %arg2[%swap3A, %swap3A_6], %dot_general3A_5 {strides = array<i32>} : memref<10000x128xf32, #tpu.memory_space<vmem>>, vector<10000x128xf32>,
    return
  }
}

module attributes {stable_mosaic.version = 14 : i64} {
  func.func @_scale1_body(%arg0: memref<2x10000x16xf32, #tpu.memory_space<vmem>>, %arg1: memref<10000x128xf32, #tpu.memory_space<vmem>>, %arg2: memref<10000x128xf32, #tpu.memory_space<vmem>>, %arg3: memref<10000x1xf32, #tpu.memory_space<vmem>>) attributes {dimension_semantics = [], scalar_prefetch = 0 : i64, scratch_operands = 0 : i64, tpu.core_type = #tpu.core_type<tc>} {
    %get3A = arith.constant 0 : index
    %get3A_0 = arith.constant 0 : index
    %get3A_1 = arith.constant 0 : index
    %get3A_2 = vector.load %arg0[%get3A, %get3A_0, %get3A_1] : memref<2x10000x16xf32, #tpu.memory_space<vmem>>, vector<1x10000x1xf32>
    %get3A_3 = vector.shape_cast %get3A_2 : vector<1x10000x1xf32> to vector<10000x1xf32>
    %get3A_4 = arith.constant 1 : index
    %get3A_5 = arith.constant 0 : index
    %get3A_6 = arith.constant 0 : index
    %get3A_7 = vector.load %arg0[%get3A_4, %get3A_5, %get3A_6] : memref<2x10000x16xf32, #tpu.memory_space<vmem>>, vector<1x10000x1xf32>
    %get3A_8 = vector.shape_cast %get3A_7 : vector<1x10000x1xf32> to vector<10000x1xf32>
    %add3A = arith.addf %get3A_3, %get3A_8 : vector<10000x1xf32>
    %add3A_9 = arith.constant 1.000000e+00 : f32
    %add3A_10 = vector.broadcast %add3A_9 : f32 to vector<10000x1xf32>
    %add3A_11 = arith.addf %add3A, %add3A_10 : vector<10000x1xf32>
    %rsqrt3A = math.rsqrt %add3A_11 : vector<10000x1xf32>
    %get3A_12 = arith.constant 0 : index
    %get3A_13 = arith.constant 0 : index
    %get3A_14 = vector.load %arg1[%get3A_12, %get3A_13] : memref<10000x128xf32, #tpu.memory_space<vmem>>, vector<10000x128xf32>
    %mul3A = vector.broadcast %rsqrt3A : vector<10000x1xf32> to vector<10000x128xf32>
    %mul3A_15 = arith.mulf %get3A_14, %mul3A : vector<10000x128xf32>
    %swap3A = arith.constant 0 : index
    %swap3A_16 = arith.constant 0 : index
    %swap3A_17 = vector.load %arg2[%swap3A, %swap3A_16] : memref<10000x128xf32, #tpu.memory_space<vmem>>, vector<10000x128xf32>
    tpu.vector_store %arg2[%swap3A, %swap3A_16], %mul3A_15 {strides = array<i32>} : memref<10000x128xf32, #tpu.memory_space<vmem>>, vector<10000x128xf32>,
    %swap3A_18 = arith.constant 0 : index
    %swap3A_19 = arith.constant 0 : index
    %swap3A_20 = vector.load %arg3[%swap3A_18, %swap3A_19] : memref<10000x1xf32, #tpu.memory_space<vmem>>, vector<10000x1xf32>
    tpu.vector_store %arg3[%swap3A_18, %swap3A_19], %rsqrt3A {strides = array<i32>} : memref<10000x1xf32, #tpu.memory_space<vmem>>, vector<10000x1xf32>,
    return
  }
}

module attributes {stable_mosaic.version = 14 : i64} {
  func.func @_gcn_post_body(%arg0: memref<2x10000x128xf32, #tpu.memory_space<vmem>>, %arg1: memref<10000x128xf32, #tpu.memory_space<vmem>>, %arg2: memref<10000x1xf32, #tpu.memory_space<vmem>>, %arg3: memref<1x128xf32, #tpu.memory_space<vmem>>, %arg4: memref<1x128xf32, #tpu.memory_space<vmem>>, %arg5: memref<1x128xf32, #tpu.memory_space<vmem>>, %arg6: memref<128x128xf32, #tpu.memory_space<vmem>>, %arg7: memref<10000x128xf32, #tpu.memory_space<vmem>>) attributes {dimension_semantics = [], scalar_prefetch = 0 : i64, scratch_operands = 0 : i64, tpu.core_type = #tpu.core_type<tc>} {
    %get3A = arith.constant 0 : index
    %get3A_0 = arith.constant 0 : index
    %get3A_1 = vector.load %arg2[%get3A, %get3A_0] : memref<10000x1xf32, #tpu.memory_space<vmem>>, vector<10000x1xf32>
    %get3A_2 = arith.constant 0 : index
    %get3A_3 = arith.constant 0 : index
    %get3A_4 = arith.constant 0 : index
    %get3A_5 = vector.load %arg0[%get3A_2, %get3A_3, %get3A_4] : memref<2x10000x128xf32, #tpu.memory_space<vmem>>, vector<1x10000x128xf32>
    %get3A_6 = vector.shape_cast %get3A_5 : vector<1x10000x128xf32> to vector<10000x128xf32>
    %get3A_7 = arith.constant 1 : index
    %get3A_8 = arith.constant 0 : index
    %get3A_9 = arith.constant 0 : index
    %get3A_10 = vector.load %arg0[%get3A_7, %get3A_8, %get3A_9] : memref<2x10000x128xf32, #tpu.memory_space<vmem>>, vector<1x10000x128xf32>
    %get3A_11 = vector.shape_cast %get3A_10 : vector<1x10000x128xf32> to vector<10000x128xf32>
    %add3A = arith.addf %get3A_6, %get3A_11 : vector<10000x128xf32>
    %get3A_12 = arith.constant 0 : index
    %get3A_13 = arith.constant 0 : index
    %get3A_14 = vector.load %arg1[%get3A_12, %get3A_13] : memref<10000x128xf32, #tpu.memory_space<vmem>>, vector<10000x128xf32>
    %add3A_15 = arith.addf %add3A, %get3A_14 : vector<10000x128xf32>
    %mul3A = vector.broadcast %get3A_1 : vector<10000x1xf32> to vector<10000x128xf32>
    %mul3A_16 = arith.mulf %add3A_15, %mul3A : vector<10000x128xf32>
    %get3A_17 = arith.constant 0 : index
    %get3A_18 = arith.constant 0 : index
    %get3A_19 = vector.load %arg3[%get3A_17, %get3A_18] : memref<1x128xf32, #tpu.memory_space<vmem>>, vector<1x128xf32>
    %add3A_20 = vector.broadcast %get3A_19 : vector<1x128xf32> to vector<10000x128xf32>
    %add3A_21 = arith.addf %mul3A_16, %add3A_20 : vector<10000x128xf32>
    %reduce_sum3A = arith.constant dense<0.000000e+00> : vector<128xf32>
    %reduce_sum3A_22 = vector.multi_reduction <add>, %add3A_21, %reduce_sum3A [0] : vector<10000x128xf32> to vector<128xf32>
    %broadcast_in_dim3A = vector.shape_cast %reduce_sum3A_22 : vector<128xf32> to vector<1x128xf32>
    %div3A = arith.constant 1.000000e+04 : f32
    %div3A_23 = vector.broadcast %div3A : f32 to vector<1x128xf32>
    %div3A_24 = arith.divf %broadcast_in_dim3A, %div3A_23 : vector<1x128xf32>
    %sub3A = vector.broadcast %div3A_24 : vector<1x128xf32> to vector<10000x128xf32>
    %sub3A_25 = arith.subf %add3A_21, %sub3A : vector<10000x128xf32>
    %integer_pow3A = arith.mulf %sub3A_25, %sub3A_25 : vector<10000x128xf32>
    %reduce_sum3A_26 = arith.constant dense<0.000000e+00> : vector<128xf32>
    %reduce_sum3A_27 = vector.multi_reduction <add>, %integer_pow3A, %reduce_sum3A_26 [0] : vector<10000x128xf32> to vector<128xf32>
    %broadcast_in_dim3A_28 = vector.shape_cast %reduce_sum3A_27 : vector<128xf32> to vector<1x128xf32>
    %div3A_29 = arith.constant 1.000000e+04 : f32
    %div3A_30 = vector.broadcast %div3A_29 : f32 to vector<1x128xf32>
    %div3A_31 = arith.divf %broadcast_in_dim3A_28, %div3A_30 : vector<1x128xf32>
    %sub3A_32 = vector.broadcast %div3A_24 : vector<1x128xf32> to vector<10000x128xf32>
    %sub3A_33 = arith.subf %add3A_21, %sub3A_32 : vector<10000x128xf32>
    %add3A_34 = arith.constant 9.99999974E-6 : f32
    %add3A_35 = vector.broadcast %add3A_34 : f32 to vector<1x128xf32>
    %add3A_36 = arith.addf %div3A_31, %add3A_35 : vector<1x128xf32>
    %rsqrt3A = math.rsqrt %add3A_36 : vector<1x128xf32>
    %mul3A_37 = vector.broadcast %rsqrt3A : vector<1x128xf32> to vector<10000x128xf32>
    %mul3A_38 = arith.mulf %sub3A_33, %mul3A_37 : vector<10000x128xf32>
    %get3A_39 = arith.constant 0 : index
    %get3A_40 = arith.constant 0 : index
    %get3A_41 = vector.load %arg4[%get3A_39, %get3A_40] : memref<1x128xf32, #tpu.memory_space<vmem>>, vector<1x128xf32>
    %mul3A_42 = vector.broadcast %get3A_41 : vector<1x128xf32> to vector<10000x128xf32>
    %mul3A_43 = arith.mulf %mul3A_38, %mul3A_42 : vector<10000x128xf32>
    %get3A_44 = arith.constant 0 : index
    %get3A_45 = arith.constant 0 : index
    %get3A_46 = vector.load %arg5[%get3A_44, %get3A_45] : memref<1x128xf32, #tpu.memory_space<vmem>>, vector<1x128xf32>
    %add3A_47 = vector.broadcast %get3A_46 : vector<1x128xf32> to vector<10000x128xf32>
    %add3A_48 = arith.addf %mul3A_43, %add3A_47 : vector<10000x128xf32>
    %max3A = arith.constant 0.000000e+00 : f32
    %max3A_49 = vector.broadcast %max3A : f32 to vector<10000x128xf32>
    %max3A_50 = arith.maximumf %add3A_48, %max3A_49 : vector<10000x128xf32>
    %get3A_51 = arith.constant 0 : index
    %get3A_52 = arith.constant 0 : index
    %get3A_53 = vector.load %arg6[%get3A_51, %get3A_52] : memref<128x128xf32, #tpu.memory_space<vmem>>, vector<128x128xf32>
    %dot_general3A = arith.constant dense<0.000000e+00> : vector<10000x128xf32>
    %dot_general3A_54 = tpu.matmul %max3A_50, %get3A_53, %dot_general3A {dimension_numbers = #tpu.dot_dimension_numbers<[1], [0], [0], [1], [0, 0, 1, 1], [], []>, transpose_lhs_hint = false} : vector<10000x128xf32>, vector<128x128xf32>, vector<10000x128xf32> -> vector<10000x128xf32>
    %mul3A_55 = vector.broadcast %get3A_1 : vector<10000x1xf32> to vector<10000x128xf32>
    %mul3A_56 = arith.mulf %dot_general3A_54, %mul3A_55 : vector<10000x128xf32>
    %swap3A = arith.constant 0 : index
    %swap3A_57 = arith.constant 0 : index
    %swap3A_58 = vector.load %arg7[%swap3A, %swap3A_57] : memref<10000x128xf32, #tpu.memory_space<vmem>>, vector<10000x128xf32>
    tpu.vector_store %arg7[%swap3A, %swap3A_57], %mul3A_56 {strides = array<i32>} : memref<10000x128xf32, #tpu.memory_space<vmem>>, vector<10000x128xf32>,
    return
  }
}

module attributes {stable_mosaic.version = 14 : i64} {
  func.func @_gcn_final_body(%arg0: memref<2x10000x128xf32, #tpu.memory_space<vmem>>, %arg1: memref<10000x128xf32, #tpu.memory_space<vmem>>, %arg2: memref<10000x1xf32, #tpu.memory_space<vmem>>, %arg3: memref<1x128xf32, #tpu.memory_space<vmem>>, %arg4: memref<1x128xf32, #tpu.memory_space<vmem>>, %arg5: memref<1x128xf32, #tpu.memory_space<vmem>>, %arg6: memref<10000x128xf32, #tpu.memory_space<vmem>>) attributes {dimension_semantics = [], scalar_prefetch = 0 : i64, scratch_operands = 0 : i64, tpu.core_type = #tpu.core_type<tc>} {
    %get3A = arith.constant 0 : index
    %get3A_0 = arith.constant 0 : index
    %get3A_1 = vector.load %arg2[%get3A, %get3A_0] : memref<10000x1xf32, #tpu.memory_space<vmem>>, vector<10000x1xf32>
    %get3A_2 = arith.constant 0 : index
    %get3A_3 = arith.constant 0 : index
    %get3A_4 = arith.constant 0 : index
    %get3A_5 = vector.load %arg0[%get3A_2, %get3A_3, %get3A_4] : memref<2x10000x128xf32, #tpu.memory_space<vmem>>, vector<1x10000x128xf32>
    %get3A_6 = vector.shape_cast %get3A_5 : vector<1x10000x128xf32> to vector<10000x128xf32>
    %get3A_7 = arith.constant 1 : index
    %get3A_8 = arith.constant 0 : index
    %get3A_9 = arith.constant 0 : index
    %get3A_10 = vector.load %arg0[%get3A_7, %get3A_8, %get3A_9] : memref<2x10000x128xf32, #tpu.memory_space<vmem>>, vector<1x10000x128xf32>
    %get3A_11 = vector.shape_cast %get3A_10 : vector<1x10000x128xf32> to vector<10000x128xf32>
    %add3A = arith.addf %get3A_6, %get3A_11 : vector<10000x128xf32>
    %get3A_12 = arith.constant 0 : index
    %get3A_13 = arith.constant 0 : index
    %get3A_14 = vector.load %arg1[%get3A_12, %get3A_13] : memref<10000x128xf32, #tpu.memory_space<vmem>>, vector<10000x128xf32>
    %add3A_15 = arith.addf %add3A, %get3A_14 : vector<10000x128xf32>
    %mul3A = vector.broadcast %get3A_1 : vector<10000x1xf32> to vector<10000x128xf32>
    %mul3A_16 = arith.mulf %add3A_15, %mul3A : vector<10000x128xf32>
    %get3A_17 = arith.constant 0 : index
    %get3A_18 = arith.constant 0 : index
    %get3A_19 = vector.load %arg3[%get3A_17, %get3A_18] : memref<1x128xf32, #tpu.memory_space<vmem>>, vector<1x128xf32>
    %add3A_20 = vector.broadcast %get3A_19 : vector<1x128xf32> to vector<10000x128xf32>
    %add3A_21 = arith.addf %mul3A_16, %add3A_20 : vector<10000x128xf32>
    %reduce_sum3A = arith.constant dense<0.000000e+00> : vector<128xf32>
    %reduce_sum3A_22 = vector.multi_reduction <add>, %add3A_21, %reduce_sum3A [0] : vector<10000x128xf32> to vector<128xf32>
    %broadcast_in_dim3A = vector.shape_cast %reduce_sum3A_22 : vector<128xf32> to vector<1x128xf32>
    %div3A = arith.constant 1.000000e+04 : f32
    %div3A_23 = vector.broadcast %div3A : f32 to vector<1x128xf32>
    %div3A_24 = arith.divf %broadcast_in_dim3A, %div3A_23 : vector<1x128xf32>
    %sub3A = vector.broadcast %div3A_24 : vector<1x128xf32> to vector<10000x128xf32>
    %sub3A_25 = arith.subf %add3A_21, %sub3A : vector<10000x128xf32>
    %integer_pow3A = arith.mulf %sub3A_25, %sub3A_25 : vector<10000x128xf32>
    %reduce_sum3A_26 = arith.constant dense<0.000000e+00> : vector<128xf32>
    %reduce_sum3A_27 = vector.multi_reduction <add>, %integer_pow3A, %reduce_sum3A_26 [0] : vector<10000x128xf32> to vector<128xf32>
    %broadcast_in_dim3A_28 = vector.shape_cast %reduce_sum3A_27 : vector<128xf32> to vector<1x128xf32>
    %div3A_29 = arith.constant 1.000000e+04 : f32
    %div3A_30 = vector.broadcast %div3A_29 : f32 to vector<1x128xf32>
    %div3A_31 = arith.divf %broadcast_in_dim3A_28, %div3A_30 : vector<1x128xf32>
    %sub3A_32 = vector.broadcast %div3A_24 : vector<1x128xf32> to vector<10000x128xf32>
    %sub3A_33 = arith.subf %add3A_21, %sub3A_32 : vector<10000x128xf32>
    %add3A_34 = arith.constant 9.99999974E-6 : f32
    %add3A_35 = vector.broadcast %add3A_34 : f32 to vector<1x128xf32>
    %add3A_36 = arith.addf %div3A_31, %add3A_35 : vector<1x128xf32>
    %rsqrt3A = math.rsqrt %add3A_36 : vector<1x128xf32>
    %mul3A_37 = vector.broadcast %rsqrt3A : vector<1x128xf32> to vector<10000x128xf32>
    %mul3A_38 = arith.mulf %sub3A_33, %mul3A_37 : vector<10000x128xf32>
    %get3A_39 = arith.constant 0 : index
    %get3A_40 = arith.constant 0 : index
    %get3A_41 = vector.load %arg4[%get3A_39, %get3A_40] : memref<1x128xf32, #tpu.memory_space<vmem>>, vector<1x128xf32>
    %mul3A_42 = vector.broadcast %get3A_41 : vector<1x128xf32> to vector<10000x128xf32>
    %mul3A_43 = arith.mulf %mul3A_38, %mul3A_42 : vector<10000x128xf32>
    %get3A_44 = arith.constant 0 : index
    %get3A_45 = arith.constant 0 : index
    %get3A_46 = vector.load %arg5[%get3A_44, %get3A_45] : memref<1x128xf32, #tpu.memory_space<vmem>>, vector<1x128xf32>
    %add3A_47 = vector.broadcast %get3A_46 : vector<1x128xf32> to vector<10000x128xf32>
    %add3A_48 = arith.addf %mul3A_43, %add3A_47 : vector<10000x128xf32>
    %max3A = arith.constant 0.000000e+00 : f32
    %max3A_49 = vector.broadcast %max3A : f32 to vector<10000x128xf32>
    %max3A_50 = arith.maximumf %add3A_48, %max3A_49 : vector<10000x128xf32>
    %swap3A = arith.constant 0 : index
    %swap3A_51 = arith.constant 0 : index
    %swap3A_52 = vector.load %arg6[%swap3A, %swap3A_51] : memref<10000x128xf32, #tpu.memory_space<vmem>>, vector<10000x128xf32>
    tpu.vector_store %arg6[%swap3A, %swap3A_51], %max3A_50 {strides = array<i32>} : memref<10000x128xf32, #tpu.memory_space<vmem>>, vector<10000x128xf32>,
    return
  }
}

module attributes {stable_mosaic.version = 14 : i64} {
  func.func @_lstm_body(%arg0: memref<100x100x128xf32, #tpu.memory_space<vmem>>, %arg1: memref<256x512xf32, #tpu.memory_space<vmem>>, %arg2: memref<1x512xf32, #tpu.memory_space<vmem>>, %arg3: memref<256x512xf32, #tpu.memory_space<vmem>>, %arg4: memref<1x512xf32, #tpu.memory_space<vmem>>, %arg5: memref<128x1536xf32, #tpu.memory_space<vmem>>, %arg6: memref<1x1536xf32, #tpu.memory_space<vmem>>, %arg7: memref<100x1536xf32, #tpu.memory_space<vmem>>) attributes {dimension_semantics = [], scalar_prefetch = 0 : i64, scratch_operands = 0 : i64, tpu.core_type = #tpu.core_type<tc>} {
    %broadcast_in_dim3A = arith.constant 0.000000e+00 : f32
    %broadcast_in_dim3A_0 = vector.broadcast %broadcast_in_dim3A : f32 to vector<100x128xf32>
    %scan3A = arith.constant 0 : i32
    %scan3A_1 = arith.constant 100 : i32
    %scan3A_2 = arith.addi %scan3A, %scan3A_1 : i32
    %scan3A_3 = arith.constant 1 : i32
    %scan3A_4:4 = scf.for %scan3A_15 = %scan3A to %scan3A_2 step %scan3A_3 iter_args(%scan3A_16 = %broadcast_in_dim3A_0, %scan3A_17 = %broadcast_in_dim3A_0, %scan3A_18 = %broadcast_in_dim3A_0, %scan3A_19 = %broadcast_in_dim3A_0) -> (vector<100x128xf32>, vector<100x128xf32>, vector<100x128xf32>, vector<100x128xf32>)  : i32 {
      %get3A_20 = arith.index_cast %scan3A_15 : i32 to index
      %get3A_21 = arith.constant 0 : index
      %get3A_22 = arith.constant 0 : index
      %get3A_23 = vector.load %arg0[%get3A_20, %get3A_21, %get3A_22] : memref<100x100x128xf32, #tpu.memory_space<vmem>>, vector<1x100x128xf32>
      %get3A_24 = vector.shape_cast %get3A_23 : vector<1x100x128xf32> to vector<100x128xf32>
      %concatenate3A = tpu.concatenate %get3A_24, %scan3A_16 in 1 : vector<100x128xf32>, vector<100x128xf32> -> vector<100x256xf32>
      %get3A_25 = arith.constant 0 : index
      %get3A_26 = arith.constant 0 : index
      %get3A_27 = vector.load %arg1[%get3A_25, %get3A_26] : memref<256x512xf32, #tpu.memory_space<vmem>>, vector<256x512xf32>
      %dot_general3A_28 = arith.constant dense<0.000000e+00> : vector<100x512xf32>
      %dot_general3A_29 = tpu.matmul %concatenate3A, %get3A_27, %dot_general3A_28 {dimension_numbers = #tpu.dot_dimension_numbers<[1], [0], [0], [1], [0, 0, 1, 1], [], []>, transpose_lhs_hint = false} : vector<100x256xf32>, vector<256x512xf32>, vector<100x512xf32> -> vector<100x512xf32>
      %get3A_30 = arith.constant 0 : index
      %get3A_31 = arith.constant 0 : index
      %get3A_32 = vector.load %arg2[%get3A_30, %get3A_31] : memref<1x512xf32, #tpu.memory_space<vmem>>, vector<1x512xf32>
      %add3A_33 = vector.broadcast %get3A_32 : vector<1x512xf32> to vector<100x512xf32>
      %add3A_34 = arith.addf %dot_general3A_29, %add3A_33 : vector<100x512xf32>
      %slice3A = vector.extract_strided_slice %add3A_34 {offsets = [0, 0], sizes = [100, 128], strides = [1, 1]} : vector<100x512xf32> to vector<100x128xf32>
      %logistic3A = arith.negf %slice3A : vector<100x128xf32>
      %logistic3A_35 = math.exp %logistic3A : vector<100x128xf32>
      %logistic3A_36 = arith.constant 1.000000e+00 : f32
      %logistic3A_37 = vector.broadcast %logistic3A_36 : f32 to vector<100x128xf32>
      %logistic3A_38 = arith.addf %logistic3A_37, %logistic3A_35 : vector<100x128xf32>
      %logistic3A_39 = arith.divf %logistic3A_37, %logistic3A_38 : vector<100x128xf32>
      %slice3A_40 = vector.extract_strided_slice %add3A_34 {offsets = [0, 128], sizes = [100, 128], strides = [1, 1]} : vector<100x512xf32> to vector<100x128xf32>
      %logistic3A_41 = arith.negf %slice3A_40 : vector<100x128xf32>
      %logistic3A_42 = math.exp %logistic3A_41 : vector<100x128xf32>
      %logistic3A_43 = arith.constant 1.000000e+00 : f32
      %logistic3A_44 = vector.broadcast %logistic3A_43 : f32 to vector<100x128xf32>
      %logistic3A_45 = arith.addf %logistic3A_44, %logistic3A_42 : vector<100x128xf32>
      %logistic3A_46 = arith.divf %logistic3A_44, %logistic3A_45 : vector<100x128xf32>
      %slice3A_47 = vector.extract_strided_slice %add3A_34 {offsets = [0, 256], sizes = [100, 128], strides = [1, 1]} : vector<100x512xf32> to vector<100x128xf32>
      %tanh3A = math.tanh %slice3A_47 : vector<100x128xf32>
      %slice3A_48 = vector.extract_strided_slice %add3A_34 {offsets = [0, 384], sizes = [100, 128], strides = [1, 1]} : vector<100x512xf32> to vector<100x128xf32>
      %logistic3A_49 = arith.negf %slice3A_48 : vector<100x128xf32>
      %logistic3A_50 = math.exp %logistic3A_49 : vector<100x128xf32>
      %logistic3A_51 = arith.constant 1.000000e+00 : f32
      %logistic3A_52 = vector.broadcast %logistic3A_51 : f32 to vector<100x128xf32>
      %logistic3A_53 = arith.addf %logistic3A_52, %logistic3A_50 : vector<100x128xf32>
      %logistic3A_54 = arith.divf %logistic3A_52, %logistic3A_53 : vector<100x128xf32>
      %mul3A = arith.mulf %logistic3A_46, %scan3A_17 : vector<100x128xf32>
      %mul3A_55 = arith.mulf %logistic3A_39, %tanh3A : vector<100x128xf32>
      %add3A_56 = arith.addf %mul3A, %mul3A_55 : vector<100x128xf32>
      %tanh3A_57 = math.tanh %add3A_56 : vector<100x128xf32>
      %mul3A_58 = arith.mulf %logistic3A_54, %tanh3A_57 : vector<100x128xf32>
      %concatenate3A_59 = tpu.concatenate %mul3A_58, %scan3A_18 in 1 : vector<100x128xf32>, vector<100x128xf32> -> vector<100x256xf32>
      %get3A_60 = arith.constant 0 : index
      %get3A_61 = arith.constant 0 : index
      %get3A_62 = vector.load %arg3[%get3A_60, %get3A_61] : memref<256x512xf32, #tpu.memory_space<vmem>>, vector<256x512xf32>
      %dot_general3A_63 = arith.constant dense<0.000000e+00> : vector<100x512xf32>
      %dot_general3A_64 = tpu.matmul %concatenate3A_59, %get3A_62, %dot_general3A_63 {dimension_numbers = #tpu.dot_dimension_numbers<[1], [0], [0], [1], [0, 0, 1, 1], [], []>, transpose_lhs_hint = false} : vector<100x256xf32>, vector<256x512xf32>, vector<100x512xf32> -> vector<100x512xf32>
      %get3A_65 = arith.constant 0 : index
      %get3A_66 = arith.constant 0 : index
      %get3A_67 = vector.load %arg4[%get3A_65, %get3A_66] : memref<1x512xf32, #tpu.memory_space<vmem>>, vector<1x512xf32>
      %add3A_68 = vector.broadcast %get3A_67 : vector<1x512xf32> to vector<100x512xf32>
      %add3A_69 = arith.addf %dot_general3A_64, %add3A_68 : vector<100x512xf32>
      %slice3A_70 = vector.extract_strided_slice %add3A_69 {offsets = [0, 0], sizes = [100, 128], strides = [1, 1]} : vector<100x512xf32> to vector<100x128xf32>
      %logistic3A_71 = arith.negf %slice3A_70 : vector<100x128xf32>
      %logistic3A_72 = math.exp %logistic3A_71 : vector<100x128xf32>
      %logistic3A_73 = arith.constant 1.000000e+00 : f32
      %logistic3A_74 = vector.broadcast %logistic3A_73 : f32 to vector<100x128xf32>
      %logistic3A_75 = arith.addf %logistic3A_74, %logistic3A_72 : vector<100x128xf32>
      %logistic3A_76 = arith.divf %logistic3A_74, %logistic3A_75 : vector<100x128xf32>
      %slice3A_77 = vector.extract_strided_slice %add3A_69 {offsets = [0, 128], sizes = [100, 128], strides = [1, 1]} : vector<100x512xf32> to vector<100x128xf32>
      %logistic3A_78 = arith.negf %slice3A_77 : vector<100x128xf32>
      %logistic3A_79 = math.exp %logistic3A_78 : vector<100x128xf32>
      %logistic3A_80 = arith.constant 1.000000e+00 : f32
      %logistic3A_81 = vector.broadcast %logistic3A_80 : f32 to vector<100x128xf32>
      %logistic3A_82 = arith.addf %logistic3A_81, %logistic3A_79 : vector<100x128xf32>
      %logistic3A_83 = arith.divf %logistic3A_81, %logistic3A_82 : vector<100x128xf32>
      %slice3A_84 = vector.extract_strided_slice %add3A_69 {offsets = [0, 256], sizes = [100, 128], strides = [1, 1]} : vector<100x512xf32> to vector<100x128xf32>
      %tanh3A_85 = math.tanh %slice3A_84 : vector<100x128xf32>
      %slice3A_86 = vector.extract_strided_slice %add3A_69 {offsets = [0, 384], sizes = [100, 128], strides = [1, 1]} : vector<100x512xf32> to vector<100x128xf32>
      %logistic3A_87 = arith.negf %slice3A_86 : vector<100x128xf32>
      %logistic3A_88 = math.exp %logistic3A_87 : vector<100x128xf32>
      %logistic3A_89 = arith.constant 1.000000e+00 : f32
      %logistic3A_90 = vector.broadcast %logistic3A_89 : f32 to vector<100x128xf32>
      %logistic3A_91 = arith.addf %logistic3A_90, %logistic3A_88 : vector<100x128xf32>
      %logistic3A_92 = arith.divf %logistic3A_90, %logistic3A_91 : vector<100x128xf32>
      %mul3A_93 = arith.mulf %logistic3A_83, %scan3A_19 : vector<100x128xf32>
      %mul3A_94 = arith.mulf %logistic3A_76, %tanh3A_85 : vector<100x128xf32>
      %add3A_95 = arith.addf %mul3A_93, %mul3A_94 : vector<100x128xf32>
      %tanh3A_96 = math.tanh %add3A_95 : vector<100x128xf32>
      %mul3A_97 = arith.mulf %logistic3A_92, %tanh3A_96 : vector<100x128xf32>
      scf.yield %mul3A_58, %add3A_56, %mul3A_97, %add3A_95 : vector<100x128xf32>, vector<100x128xf32>, vector<100x128xf32>, vector<100x128xf32>
    }
    %scan3A_5 = arith.constant 100 : i32
    %get3A = arith.constant 0 : index
    %get3A_6 = arith.constant 0 : index
    %get3A_7 = vector.load %arg5[%get3A, %get3A_6] : memref<128x1536xf32, #tpu.memory_space<vmem>>, vector<128x1536xf32>
    %dot_general3A = arith.constant dense<0.000000e+00> : vector<100x1536xf32>
    %dot_general3A_8 = tpu.matmul %scan3A_4#2, %get3A_7, %dot_general3A {dimension_numbers = #tpu.dot_dimension_numbers<[1], [0], [0], [1], [0, 0, 1, 1], [], []>, transpose_lhs_hint = false} : vector<100x128xf32>, vector<128x1536xf32>, vector<100x1536xf32> -> vector<100x1536xf32>
    %get3A_9 = arith.constant 0 : index
    %get3A_10 = arith.constant 0 : index
    %get3A_11 = vector.load %arg6[%get3A_9, %get3A_10] : memref<1x1536xf32, #tpu.memory_space<vmem>>, vector<1x1536xf32>
    %add3A = vector.broadcast %get3A_11 : vector<1x1536xf32> to vector<100x1536xf32>
    %add3A_12 = arith.addf %dot_general3A_8, %add3A : vector<100x1536xf32>
    %swap3A = arith.constant 0 : index
    %swap3A_13 = arith.constant 0 : index
    %swap3A_14 = vector.load %arg7[%swap3A, %swap3A_13] : memref<100x1536xf32, #tpu.memory_space<vmem>>, vector<100x1536xf32>
    tpu.vector_store %arg7[%swap3A, %swap3A_13], %add3A_12 {strides = array<i32>} : memref<100x1536xf32, #tpu.memory_space<vmem>>, vector<100x1536xf32>,
    return
  }
}

</mosaic_0001>

<sc_bundles>
// kernel: kernel.10.cloned.1.call-start
scs
__scs_entry_jumppad:
0x0: {  	(pc) =	sbr.rel $0x88, $3  }
0x1: {  	(tag) =	ssettag $0x0;
	lr =	simm.s32 $0x1  }
0x2: {  	[smem:$0x3F8D] =	sst lr;
	_ =	strace $0xD0000000  }
0x3: {  	_ = 	snop  }
0x4: {  	_ = 	snop  }
0x5: {  	_ = 	snop  }
0x6: {  	_ = 	snop  }
0x7: {  	_ = 	snop  }
__scs_overlays_trampoline_lowered:
0x8: {  	[smem:$0x3F9C] =	sst s0  }
0x9: {  	[smem:$0x3F9D] =	sst s1  }
0xa: {  	[smem:$0x3F9E] =	sst s2  }
0xb: {  	[smem:$0x3F9F] =	sst s3  }
0xc: {  	[smem:$0x3FA0] =	sst s4  }
0xd: {  	[smem:$0x3FA1] =	sst s5  }
0xe: {  	[smem:$0x3FA2] =	sst s6  }
0xf: {  	[smem:$0x3FA3] =	sst s7  }
0x10: {  	[smem:$0x3FA4] =	sst s8  }
0x11: {  	[smem:$0x3FA5] =	sst s9;
	s0 =	simm.s32 @!p0 $0x0  }
0x12: {  	s1 =	sld [smem:$0x3F8B];
	s0 =	simm.s32 @p0 $0x1  }
0x13: {  	[smem:$0x3FA6] =	sst s0;
	s0 =	simm.s32 @!p1 $0x0  }
0x14: {  	s2 =	sld [smem:$0x3F8A];
	s0 =	simm.s32 @p1 $0x1  }
0x15: {  	[smem:$0x3FA7] =	sst s0;
	s0 =	simm.s32 @!p2 $0x0  }
0x16: {  	s3 =	sld [smem:$0x3FDB];
	s0 =	simm.s32 @p2 $0x1  }
0x17: {  	s4 =	simm.s32 $0x1BF5;
	[smem:$0x3FA9] =	sst s0  }
0x18: {  	s0 =	sld [smem:$0x3F8C];
	_ =	swait.ge [sflag:s4], $0x0  }
0x19: {  	s7 =	sld [smem:$0x3F8D]  }
0x1a: {  	s8 =	sadd.s32 $0xFFFFE003, lr  }
0x1b: {  	s9 =	sadd.s32 $0xFFFFFEF7, lr;
	s5 =	simm.s32 $0xFFFFFFFF;
	p2 =	slt.u32 s8, $0xFFFFF086  }
0x1c: {  	p1 =	slt.u32 s9, $0xF7A;
	s5 =	simm.s32 @!p2 $0x0  }
0x1d: {  	s5 =	simm.s32 @p1 $0x1;
	p0 =	seq.s32 s7, s2  }
0x1e: {  	s7 =	smul.u32 @!p0 $0xF7A, s2;
	p2 =	seq.s32 @!p0 s5, $0x0  }
0x1f: {  	s9 =	smul.u32 $0xF7A, s1;
	s8 =	simm.s32 @!p0 $0x1BF5;
	p2 =	por !p2, p0  }
0x20: {  	[sflag:s8] =	ssyncset.s32 @!p0 $0xFFFFF086;
	s6 =	sadd.s32 @!p0 s3, s7;
	s7 =	simm.s32 @!p0 $0x108  }
0x21: {  	s3 =	sadd.s32 s3, s9;
	s6 =	sadd.s32 @!p0 $0x88, s6;
	s7 =	simm.s32 @p2 $0x1082  }
0x22: {  	[simem:s7], [sflag:s8] =	dma.local @!p0 [hbm:s6], $0xF7A  }
0x23: {  	s9 =	sor.u32 $0xD0000000, s2;
	s6 =	simm.s32 $0x108;
	_ =	swait.ge @!p0 [sflag:s8], $0x0  }
0x24: {  	s3 =	sadd.s32 $0x88, s3;
	s6 =	simm.s32 @!p1 $0x1082;
	[sflag:s4] =	ssyncset.s32 $0xFFFFF086  }
0x25: {  	[simem:s6], [sflag:s4] =	dma.local [hbm:s3], $0xF7A  }
0x26: {  	[smem:$0x3F8D] =	sst s1;
	(tag) =	ssettag s2;
	_ =	strace s9  }
0x27: {  	s1 =	sld [smem:$0x3F9D]  }
0x28: {  	s2 =	sld [smem:$0x3F9E]  }
0x29: {  	s4 =	sld [smem:$0x3FA0]  }
0x2a: {  	p0 =	seq.s32 s5, $0x0;
	s5 =	sld [smem:$0x3FA1]  }
0x2b: {  	s6 =	sld [smem:$0x3FA2]  }
0x2c: {  	s7 =	sld [smem:$0x3FA3]  }
0x2d: {  	s3 =	simm.s32 $0x108;
	s8 =	sld [smem:$0x3FA4]  }
0x2e: {  	s3 =	simm.s32 @!p0 $0x1082;
	s9 =	sld [smem:$0x3FA5]  }
0x2f: {  	lr =	sadd.s32 s0, s3;
	s0 =	sld [smem:$0x3F9C]  }
0x30: {  	s3 =	sld [smem:$0x3F9F]  }
0x31: {  	[smem:$0x3FA8] =	sst s10  }
0x32: {  	s10 =	sld [smem:$0x3FA6];
	_ =	sdelay $0x3  }
0x33: {  	p0 =	seq.s32 s10, $0x1;
	s10 =	sld [smem:$0x3FA8];
	_ =	sdelay $0x3  }
0x34: {  	[smem:$0x3FA8] =	sst s10  }
0x35: {  	s10 =	sld [smem:$0x3FA7];
	_ =	sdelay $0x3  }
0x36: {  	p1 =	seq.s32 s10, $0x1;
	s10 =	sld [smem:$0x3FA8];
	_ =	sdelay $0x3  }
0x37: {  	[smem:$0x3FA8] =	sst s10  }
0x38: {  	s10 =	sld [smem:$0x3FA9]  }
0x39: {  	_ = 	snop;
	(pc) =	sbr.ind lr, $3  }
0x3a: {  	_ = 	snop  }
0x3b: {  	_ = 	snop  }
0x3c: {  	p2 =	seq.s32 s10, $0x1;
	s10 =	sld [smem:$0x3FA8]  }
0x3d: {  	_ =	shalt  }
0x3e: {  	_ =	shalt  }
0x3f: {  	_ =	shalt  }
0x40: {  	_ =	shalt  }
0x41: {  	_ =	shalt  }
0x42: {  	_ =	shalt  }
0x43: {  	_ =	shalt  }
0x44: {  	_ =	shalt  }
0x45: {  	_ =	shalt  }
0x46: {  	_ =	shalt  }
0x47: {  	_ =	shalt  }
0x48: {  	_ =	shalt  }
0x49: {  	_ =	shalt  }
0x4a: {  	_ =	shalt  }
0x4b: {  	_ =	shalt  }
0x4c: {  	_ =	shalt  }
0x4d: {  	_ =	shalt  }
0x4e: {  	_ =	shalt  }
0x4f: {  	_ =	shalt  }
0x50: {  	_ =	shalt  }
0x51: {  	_ =	shalt  }
0x52: {  	_ =	shalt  }
0x53: {  	_ =	shalt  }
0x54: {  	_ =	shalt  }
0x55: {  	_ =	shalt  }
0x56: {  	_ =	shalt  }
0x57: {  	_ =	shalt  }
0x58: {  	_ =	shalt  }
0x59: {  	_ =	shalt  }
0x5a: {  	_ =	shalt  }
0x5b: {  	_ =	shalt  }
0x5c: {  	_ =	shalt  }
0x5d: {  	_ =	shalt  }
0x5e: {  	_ =	shalt  }
0x5f: {  	_ =	shalt  }
0x60: {  	_ =	shalt  }
0x61: {  	_ =	shalt  }
0x62: {  	_ =	shalt  }
0x63: {  	_ =	shalt  }
0x64: {  	_ =	shalt  }
0x65: {  	_ =	shalt  }
0x66: {  	_ =	shalt  }
0x67: {  	_ =	shalt  }
0x68: {  	_ =	shalt  }
0x69: {  	_ =	shalt  }
0x6a: {  	_ =	shalt  }
0x6b: {  	_ =	shalt  }
0x6c: {  	_ =	shalt  }
0x6d: {  	_ =	shalt  }
0x6e: {  	_ =	shalt  }
0x6f: {  	_ =	shalt  }
0x70: {  	_ =	shalt  }
0x71: {  	_ =	shalt  }
0x72: {  	_ =	shalt  }
0x73: {  	_ =	shalt  }
0x74: {  	_ =	shalt  }
0x75: {  	_ =	shalt  }
0x76: {  	_ =	shalt  }
0x77: {  	_ =	shalt  }
0x78: {  	_ =	shalt  }
0x79: {  	_ =	shalt  }
0x7a: {  	_ =	shalt  }
0x7b: {  	_ =	shalt  }
0x7c: {  	_ =	shalt  }
0x7d: {  	_ =	shalt  }
0x7e: {  	_ =	shalt  }
0x7f: {  	_ =	shalt  }
0x80: {  	_ =	shalt  }
0x81: {  	_ =	shalt  }
0x82: {  	_ =	shalt  }
0x83: {  	_ =	shalt  }
0x84: {  	_ =	shalt  }
0x85: {  	_ =	shalt  }
0x86: {  	_ =	shalt  }
0x87: {  	_ =	shalt  }
.Lfunc_end0:
.L_simem_size_0:
called_computation_lowered:
.L_overlay_start_0:
0x88: {  	s2 =	sld [smem:$0x3FD9]  }
0x89: {  	s3 =	sld [smem:$0x3FFE];
	_ =	sdelay $0x1  }
0x8a: {  	s1 =	srdreg.scid  }
0x8b: {  	s0 =	sand.u32 $0x1, s1  }
0x8c: {  	s17 =	sshll.u32 s0, $0xA;
	s2 =	sadd.s32 s3, s2  }
0x8d: {  	s2 =	sadd.s32 s2, s17  }
0x8e: {  	[smem:$0x3FB4] =	sst s2  }
0x8f: {  	_ = 	snop  }
0x90: {  	s2 =	sld [smem:$0x3FD0];
	(tm) =	ssettm $0x1  }
0x91: {  	s18 =	sld [smem:$0x3FFB];
	_ =	sdelay $0x3  }
0x92: {  	_ =	strace s18  }
0x93: {  	s3 =	sld [smem:$0x3FFC];
	_ =	sdelay $0x3  }
0x94: {  	_ =	strace s3  }
0x95: {  	s3 =	sld [smem:$0x3FFD];
	_ =	sdelay $0x3  }
0x96: {  	_ =	strace s3  }
0x97: {  	_ =	strace $0x8FFFFFFF  }
0x98: {  	s19 =	sld [smem:$0x3FDB];
	_ =	sdelay $0x1  }
0x99: {  	s4 =	simm.s32 $_scs_section_size  }
0x9a: {  	s5 =	simm.s32 $_size__tile_overlayer_lowered;
	s6 =	simm.s32 $_tile_overlayer_lowered  }
0x9b: {  	s22 =	simm.s32 $0x1BFF;
	s21 =	sshll.u32 s6, $0x1;
	s3 =	sadd.s32 s4, s19  }
0x9c: {  	s7 =	simm.s32 $0x0;
	s20 =	sshll.u32 s5, $0x1;
	s5 =	sadd.s32 s21, s3  }
0x9d: {  	[timem:s7], [sflag:s22] =	dma.local [hbm:s5], s20  }
0x9e: {  	_ =	swait.ge [sflag:s22], s20  }
0x9f: {  	s4 =	ssub.s32 $0x0, s20;
	[sflag:s22] =	ssyncset.done $0x0  }
0xa0: {  	[sflag:s22] =	ssyncadd.s32 s4;
	_ =	sdelay $0x1  }
0xa1: {  	s23 =	simm.s32 $0x1B8B  }
0xa2: {  	_ =	swait.ge [sflag:s23], $0x1  }
0xa3: {  	[sflag:s23] =	ssyncset.done $0x0  }
0xa4: {  	s25 =	simm.s32 $0x1B8E;
	s24 =	sld [smem:$0x3FFE];
	[sflag:s23] =	ssyncadd.s32 $0xFFFFFFFF  }
0xa5: {  	s26 =	simm.s32 $execute0_lowered;
	[smem:$0x3FD2] =	sst s25  }
0xa6: {  	s5 =	sshll.u32 s26, $0x1;
	_ =	strace $0x80000046;
	[dreg:$0x1] =	wrdreg $0xFFFFFFFF  }
0xa7: {  	s28 =	simm.s32 $_size_execute0_lowered;
	s3 =	sadd.s32 s3, s5;
	[dreg:$0x0] =	wrdreg $0x0  }
0xa8: {  	s5 =	sshll.u32 s28, $0x1;
	[dreg:$0x2] =	wrdreg s3  }
0xa9: {  	[dreg:$0x3] =	wrdreg s5  }
0xaa: {  	[dreg:$0x4] =	wrdreg $0xC0  }
0xab: {  	_ =	task [dreg:s7], $0x5FFFF  }
0xac: {  	[dreg:$0x1] =	wrdreg $0xFFFFFFFF  }
0xad: {  	[dreg:$0x0] =	wrdreg $0x60  }
0xae: {  	[dreg:$0x2] =	wrdreg s24  }
0xaf: {  	[dreg:$0x3] =	wrdreg s2  }
0xb0: {  	[dreg:$0x4] =	wrdreg $0x2FD00  }
0xb1: {  	[dreg:$0x5] =	wrdreg $0x9  }
0xb2: {  	_ =	task.clear_ibuf [dreg:s7], $0x6FFFF;
	_ =	strace $0x90000046  }
0xb3: {  	s29 =	simm.s32 $0x9;
	_ =	strace $0x80000048  }
0xb4: {  	_ =	swait.ge [sflag:s29], $0x1  }
0xb5: {  	[sflag:s29] =	ssyncadd.s32 $0xFFFFFFFF  }
0xb6: {  	_ =	strace $0x90000048  }
0xb7: {  	_ =	sfence  }
0xb8: {  	s30 =	sld [smem:$0x0];
	_ =	sdelay $0x2  }
0xb9: {  	s31 =	sshll.u32 s1, $0xD;
	s1 =	sshrl.u32 s1, $0x2  }
0xba: {  	s3 =	sand.u32 $0x4000, s31;
	s1 =	sadd.s32 s1, s30  }
0xbb: {  	s0 =	sor.u32 s3, s0;
	s1 =	sshll.u32 s1, $0x11  }
0xbc: {  	s0 =	sor.u32 s1, s0  }
0xbd: {  	s0 =	sadd.s32 $0x8F2B, s0  }
0xbe: {  	[sflag:s0] =	ssyncadd.remote.s32 $0x1  }
0xbf: {  	_ =	sfence.sel $0xFFFF  }
0xc0: {  	[dreg:$0x0] =	wrdreg $0xFFFFFFFF;
	(pc) =	sbr.abs _section_cstart, $3  }
0xc1: {  	[dreg:$0x1] =	wrdreg $0xFFFFFFFF  }
0xc2: {  	_ =	task.clear_ibuf [dreg:s7], $0x2FFFF;
	_ =	strace $0x9FFFFFFF  }
0xc3: {  	(tm) =	ssettm $0x7FFFFFFF  }
tec
execute0_lowered:
.L_overlay_start_1:
0x0: {  	(tag) =	ssettag $0x1  }
0x1: {  	s6 =	rddreg [dreg:$0x0]  }
0x2: {  	s2 =	rddreg [dreg:$0x1]  }
0x3: {  	s0 =	srdreg.scid;
	s3 =	rddreg [dreg:$0x2]  }
0x4: {  	s4 =	simm.s32 $0x0;
	s5 =	sand.u32 $0x1, s0;
	s0 =	stileid.u32  }
0x5: {  	s13 =	simm.s32 $0x1;
	s14 =	simm.s32 $0x7D;
	s8 =	smul.u32 $0x2800, s0  }
0x6: {  	[smem:$0x7FF] =	sst s4;
	s1 =	sshll.u32 s5, $0x4;
	s9 =	smul.u32 $0x4E20, s5  }
0x7: {  	s5 =	ssub.s32 $0x2, s5;
	p0 =	seq.s32 s0, $0xF;
	s7 =	sor.u32 s0, s1  }
0x8: {  	s1 =	rddreg [dreg:$0x3];
	_ =	strace $0x80000047;
	s10 =	sshrl.u32 s5, $0x1  }
0x9: {  	s7 =	smul.u32 $0x500, s7;
	s16 =	sshrl.u32 s8, $0x3;
	s9 =	sadd.s32 s9, s6  }
0xa: {  	s10 =	ssub.s32 s5, s10;
	s12 =	sadd.s32 s8, s3;
	s11 =	sadd.s32 s16, s6  }
0xb: {  	s17 =	sadd.s32 $0x13200, s9;
	s8 =	smax.u32 s10, $0x1;
	s10 =	sshll.u32 @!p0 s0, $0x6  }
0xc: {  	s7 =	sadd.s32 s7, s6;
	s5 =	sadd.s32 $0xE200, s11;
	s11 =	sadd.s32 $0x25800, s3  }
0xd: {  	s6 =	sadd.s32 $0x12D00, s6;
	s10 =	sor.u32 @!p0 $0x1C01, s10;
	s15 =	sadd.s32 @p0 $0x4B00, s17  }
0xe: {  	s16 =	sadd.s32 @!p0 s16, s17;
	s17 =	simm.s32 $0x0;
	s7 =	sadd.s32 $0x4200, s7  }
0xf: {  	s9 =	sshrl.u32 @p0 s11, $0x3;
	s11 =	sshrl.u32 @!p0 s12, $0x3;
	s12 =	simm.s32 $0x2800  }
.LBB2_1:
0x10: {  	s18 =	simm.s32 @p0 $0x1FC1  }
0x11: {  	[spmem:s9], [sflag:s18] =	dma.local @p0 [hbm:s6], $0x320  }
0x12: {  	s18 =	simm.s32 @p0 $0x1  }
0x13: {  	_ =	swait.ge @p0 [sflag:s18], $0x320  }
0x14: {  	[sflag:s18] =	ssyncset.done @p0 $0x0  }
0x15: {  	[sflag:s18] =	ssyncadd.s32 @p0 $0xFFFFFCE0;
	s18 =	simm.s32 @!p0 $0x1  }
0x16: {  	[spmem:s11], [sflag:s10] =	dma.local @!p0 [hbm:s5], $0x500  }
0x17: {  	_ =	swait.ge @!p0 [sflag:s18], $0x500  }
0x18: {  	[sflag:s18] =	ssyncset.done @!p0 $0x0  }
0x19: {  	[sflag:s18] =	ssyncadd.s32 @!p0 $0xFFFFFB00  }
0x1a: {  	[tilespmem:s12], [sflag:$0x1] =	stream.linear.gather [hbm4b:s2+s4], $0x7D0, $0x38;
	[tilespmem:$0x56E0] =	vst v63  }
0x1b: {  	_ =	swait.ge [sflag:s13], $0x7D0  }
0x1c: {  	[sflag:s13] =	ssyncset.done $0x0  }
0x1d: {  	[sflag:s13] =	ssyncadd.s32 $0xFFFFF830  }
0x1e: {  	[tilespmem:s4], [sflag:$0x1] =	stream.linear.gather [hbm4b:s7+s4], $0x2800, $0x38;
	[tilespmem:$0x56E0] =	vst v63  }
0x1f: {  	_ =	swait.ge [sflag:s13], $0x2800  }
0x20: {  	[sflag:s13] =	ssyncset.done $0x0  }
0x21: {  	[sflag:s13] =	ssyncadd.s32 $0xFFFFD800  }
0x22: {  	s31 =	simm.s32 $0x0;
	[bflag:$0x0] =	sbarrier.arrive $0xFFFF  }
0x23: {  	[spmem:s3] =	stream.indirect.scatter.add.f32 [tilespmem:s12], [sflag:$0x1], $0x10, s31, s14, $0xb8;
	[tilespmem:$0x56E0] =	vst v63  }
0x24: {  	_ =	swait.ge [sflag:s13], $0x7D0  }
0x25: {  	s18 =	simm.s32 $0x200;
	[sflag:s13] =	ssyncset.done $0x0  }
.LBB2_2:
0x26: {  	s19 =	sshra.s32 s18, $0x2;
	[sflag:s13] =	ssyncadd.s32 $0xFFFFF830;
	p1 =	sne.s32 s18, $0x9E00  }
0x27: {  	[spmem:s3] =	stream.indirect.scatter.add.f32 [tilespmem:s12], [sflag:$0x1], $0x10, s19, s14, $0xb8;
	[tilespmem:$0x56E0] =	vst v63  }
.Ltmp0:
0x28: {  	_ = 	snop;
	(pc) =	sbr.rel @p1 .LBB2_2-.Ltmp0, $4  }
0x29: {  	_ = 	snop  }
0x2a: {  	s18 =	sadd.s32 $0x200, s18  }
0x2b: {  	_ =	swait.ge [sflag:s13], $0x7D0  }
0x2c: {  	[sflag:s13] =	ssyncset.done $0x0  }
0x2d: {  	[sflag:s13] =	ssyncadd.s32 $0xFFFFF830  }
0x2e: {  	s18 =	simm.s32 @p0 $0x1FC1;
	[bflag:$0x0] =	sbarrier.arrive $0xFFFF  }
0x2f: {  	[hbm:s15], [sflag:s18] =	dma.local @p0 [spmem:s9], $0x320  }
0x30: {  	s18 =	simm.s32 @p0 $0x1  }
0x31: {  	s17 =	sadd.s32 $0x1, s17;
	_ =	swait.ge @p0 [sflag:s18], $0x320  }
0x32: {  	p1 =	sne.s32 s17, s8;
	[sflag:s18] =	ssyncset.done @p0 $0x0  }
.Ltmp1:
0x33: {  	[sflag:s18] =	ssyncadd.s32 @p0 $0xFFFFFCE0;
	s18 =	simm.s32 @!p0 $0x1;
	(pc) =	sbr.rel @p1 .LBB2_1-.Ltmp1, $4  }
0x34: {  	[hbm:s16], [sflag:s10] =	dma.local @!p0 [spmem:s11], $0x500  }
0x35: {  	_ =	swait.ge @!p0 [sflag:s18], $0x500  }
0x36: {  	[sflag:s18] =	ssyncset.done @!p0 $0x0  }
0x37: {  	[sflag:s18] =	ssyncadd.s32 @!p0 $0xFFFFFB00  }
0x38: {  	_ =	sfence.sel $0x180000  }
0x39: {  	[bflag:$0x0] =	sbarrier.arrive $0xFFFF  }
0x3a: {  	p0 =	sne.s32 s0, $0x0;
	_ =	strace $0x90000047  }
0x3b: {  	s0 =	sadd.s32 @!p0 $0x100000, s1;
	[bflag:$0x2] =	sbarrier.arrive $0xFFFF  }
0x3c: {  	[sflag:s0] =	ssyncadd.tile.s32 @!p0 $0x1;
	_ =	shalt  }
.Lfunc_end2:
_tile_overlayer_lowered:
.L_overlay_start_2:
0x3d: {  	(tag) =	ssettag $0x2  }
0x3e: {  	s0 =	rddreg [dreg:$0x0];
	s2 =	stileid.u32  }
0x3f: {  	s1 =	rddreg [dreg:$0x1];
	p0 =	sne.s32 s2, $0x0  }
0x40: {  	s3 =	rddreg [dreg:$0x2];
	[bflag:$0x3] =	sbarrier.arrive $0xFFFF;
	s2 =	simm.s32 @!p0 $0x1C01  }
0x41: {  	[timem:s3], [sflag:s2] =	dma.local @!p0 [hbm:s0], s1  }
0x42: {  	s0 =	simm.s32 @!p0 $0x1  }
0x43: {  	_ =	swait.ge @!p0 [sflag:s0], s1  }
0x44: {  	s1 =	ssub.s32 @!p0 $0x0, s1;
	[sflag:s0] =	ssyncset.done @!p0 $0x0  }
0x45: {  	[sflag:s0] =	ssyncadd.s32 @!p0 s1  }
0x46: {  	[bflag:$0x3] =	sbarrier.arrive $0xFFFF  }
0x47: {  	_ =	shalt  }

// kernel: kernel.13.cloned.1.call-start
scs
__scs_entry_jumppad:
0x0: {  	(pc) =	sbr.rel $0x88, $3  }
0x1: {  	(tag) =	ssettag $0x0;
	lr =	simm.s32 $0x1  }
0x2: {  	[smem:$0x3F8D] =	sst lr;
	_ =	strace $0xD0000000  }
0x3: {  	_ = 	snop  }
0x4: {  	_ = 	snop  }
0x5: {  	_ = 	snop  }
0x6: {  	_ = 	snop  }
0x7: {  	_ = 	snop  }
__scs_overlays_trampoline_lowered:
0x8: {  	[smem:$0x3F9C] =	sst s0  }
0x9: {  	[smem:$0x3F9D] =	sst s1  }
0xa: {  	[smem:$0x3F9E] =	sst s2  }
0xb: {  	[smem:$0x3F9F] =	sst s3  }
0xc: {  	[smem:$0x3FA0] =	sst s4  }
0xd: {  	[smem:$0x3FA1] =	sst s5  }
0xe: {  	[smem:$0x3FA2] =	sst s6  }
0xf: {  	[smem:$0x3FA3] =	sst s7  }
0x10: {  	[smem:$0x3FA4] =	sst s8  }
0x11: {  	[smem:$0x3FA5] =	sst s9;
	s0 =	simm.s32 @!p0 $0x0  }
0x12: {  	s1 =	sld [smem:$0x3F8B];
	s0 =	simm.s32 @p0 $0x1  }
0x13: {  	[smem:$0x3FA6] =	sst s0;
	s0 =	simm.s32 @!p1 $0x0  }
0x14: {  	s2 =	sld [smem:$0x3F8A];
	s0 =	simm.s32 @p1 $0x1  }
0x15: {  	[smem:$0x3FA7] =	sst s0;
	s0 =	simm.s32 @!p2 $0x0  }
0x16: {  	s3 =	sld [smem:$0x3FDB];
	s0 =	simm.s32 @p2 $0x1  }
0x17: {  	s4 =	simm.s32 $0x1BF5;
	[smem:$0x3FA9] =	sst s0  }
0x18: {  	s0 =	sld [smem:$0x3F8C];
	_ =	swait.ge [sflag:s4], $0x0  }
0x19: {  	s7 =	sld [smem:$0x3F8D]  }
0x1a: {  	s8 =	sadd.s32 $0xFFFFE003, lr  }
0x1b: {  	s9 =	sadd.s32 $0xFFFFFEF7, lr;
	s5 =	simm.s32 $0xFFFFFFFF;
	p2 =	slt.u32 s8, $0xFFFFF086  }
0x1c: {  	p1 =	slt.u32 s9, $0xF7A;
	s5 =	simm.s32 @!p2 $0x0  }
0x1d: {  	s5 =	simm.s32 @p1 $0x1;
	p0 =	seq.s32 s7, s2  }
0x1e: {  	s7 =	smul.u32 @!p0 $0xF7A, s2;
	p2 =	seq.s32 @!p0 s5, $0x0  }
0x1f: {  	s9 =	smul.u32 $0xF7A, s1;
	s8 =	simm.s32 @!p0 $0x1BF5;
	p2 =	por !p2, p0  }
0x20: {  	[sflag:s8] =	ssyncset.s32 @!p0 $0xFFFFF086;
	s6 =	sadd.s32 @!p0 s3, s7;
	s7 =	simm.s32 @!p0 $0x108  }
0x21: {  	s3 =	sadd.s32 s3, s9;
	s6 =	sadd.s32 @!p0 $0x88, s6;
	s7 =	simm.s32 @p2 $0x1082  }
0x22: {  	[simem:s7], [sflag:s8] =	dma.local @!p0 [hbm:s6], $0xF7A  }
0x23: {  	s9 =	sor.u32 $0xD0000000, s2;
	s6 =	simm.s32 $0x108;
	_ =	swait.ge @!p0 [sflag:s8], $0x0  }
0x24: {  	s3 =	sadd.s32 $0x88, s3;
	s6 =	simm.s32 @!p1 $0x1082;
	[sflag:s4] =	ssyncset.s32 $0xFFFFF086  }
0x25: {  	[simem:s6], [sflag:s4] =	dma.local [hbm:s3], $0xF7A  }
0x26: {  	[smem:$0x3F8D] =	sst s1;
	(tag) =	ssettag s2;
	_ =	strace s9  }
0x27: {  	s1 =	sld [smem:$0x3F9D]  }
0x28: {  	s2 =	sld [smem:$0x3F9E]  }
0x29: {  	s4 =	sld [smem:$0x3FA0]  }
0x2a: {  	p0 =	seq.s32 s5, $0x0;
	s5 =	sld [smem:$0x3FA1]  }
0x2b: {  	s6 =	sld [smem:$0x3FA2]  }
0x2c: {  	s7 =	sld [smem:$0x3FA3]  }
0x2d: {  	s3 =	simm.s32 $0x108;
	s8 =	sld [smem:$0x3FA4]  }
0x2e: {  	s3 =	simm.s32 @!p0 $0x1082;
	s9 =	sld [smem:$0x3FA5]  }
0x2f: {  	lr =	sadd.s32 s0, s3;
	s0 =	sld [smem:$0x3F9C]  }
0x30: {  	s3 =	sld [smem:$0x3F9F]  }
0x31: {  	[smem:$0x3FA8] =	sst s10  }
0x32: {  	s10 =	sld [smem:$0x3FA6];
	_ =	sdelay $0x3  }
0x33: {  	p0 =	seq.s32 s10, $0x1;
	s10 =	sld [smem:$0x3FA8];
	_ =	sdelay $0x3  }
0x34: {  	[smem:$0x3FA8] =	sst s10  }
0x35: {  	s10 =	sld [smem:$0x3FA7];
	_ =	sdelay $0x3  }
0x36: {  	p1 =	seq.s32 s10, $0x1;
	s10 =	sld [smem:$0x3FA8];
	_ =	sdelay $0x3  }
0x37: {  	[smem:$0x3FA8] =	sst s10  }
0x38: {  	s10 =	sld [smem:$0x3FA9]  }
0x39: {  	_ = 	snop;
	(pc) =	sbr.ind lr, $3  }
0x3a: {  	_ = 	snop  }
0x3b: {  	_ = 	snop  }
0x3c: {  	p2 =	seq.s32 s10, $0x1;
	s10 =	sld [smem:$0x3FA8]  }
0x3d: {  	_ =	shalt  }
0x3e: {  	_ =	shalt  }
0x3f: {  	_ =	shalt  }
0x40: {  	_ =	shalt  }
0x41: {  	_ =	shalt  }
0x42: {  	_ =	shalt  }
0x43: {  	_ =	shalt  }
0x44: {  	_ =	shalt  }
0x45: {  	_ =	shalt  }
0x46: {  	_ =	shalt  }
0x47: {  	_ =	shalt  }
0x48: {  	_ =	shalt  }
0x49: {  	_ =	shalt  }
0x4a: {  	_ =	shalt  }
0x4b: {  	_ =	shalt  }
0x4c: {  	_ =	shalt  }
0x4d: {  	_ =	shalt  }
0x4e: {  	_ =	shalt  }
0x4f: {  	_ =	shalt  }
0x50: {  	_ =	shalt  }
0x51: {  	_ =	shalt  }
0x52: {  	_ =	shalt  }
0x53: {  	_ =	shalt  }
0x54: {  	_ =	shalt  }
0x55: {  	_ =	shalt  }
0x56: {  	_ =	shalt  }
0x57: {  	_ =	shalt  }
0x58: {  	_ =	shalt  }
0x59: {  	_ =	shalt  }
0x5a: {  	_ =	shalt  }
0x5b: {  	_ =	shalt  }
0x5c: {  	_ =	shalt  }
0x5d: {  	_ =	shalt  }
0x5e: {  	_ =	shalt  }
0x5f: {  	_ =	shalt  }
0x60: {  	_ =	shalt  }
0x61: {  	_ =	shalt  }
0x62: {  	_ =	shalt  }
0x63: {  	_ =	shalt  }
0x64: {  	_ =	shalt  }
0x65: {  	_ =	shalt  }
0x66: {  	_ =	shalt  }
0x67: {  	_ =	shalt  }
0x68: {  	_ =	shalt  }
0x69: {  	_ =	shalt  }
0x6a: {  	_ =	shalt  }
0x6b: {  	_ =	shalt  }
0x6c: {  	_ =	shalt  }
0x6d: {  	_ =	shalt  }
0x6e: {  	_ =	shalt  }
0x6f: {  	_ =	shalt  }
0x70: {  	_ =	shalt  }
0x71: {  	_ =	shalt  }
0x72: {  	_ =	shalt  }
0x73: {  	_ =	shalt  }
0x74: {  	_ =	shalt  }
0x75: {  	_ =	shalt  }
0x76: {  	_ =	shalt  }
0x77: {  	_ =	shalt  }
0x78: {  	_ =	shalt  }
0x79: {  	_ =	shalt  }
0x7a: {  	_ =	shalt  }
0x7b: {  	_ =	shalt  }
0x7c: {  	_ =	shalt  }
0x7d: {  	_ =	shalt  }
0x7e: {  	_ =	shalt  }
0x7f: {  	_ =	shalt  }
0x80: {  	_ =	shalt  }
0x81: {  	_ =	shalt  }
0x82: {  	_ =	shalt  }
0x83: {  	_ =	shalt  }
0x84: {  	_ =	shalt  }
0x85: {  	_ =	shalt  }
0x86: {  	_ =	shalt  }
0x87: {  	_ =	shalt  }
.Lfunc_end0:
.L_simem_size_0:
called_computation.1_lowered:
.L_overlay_start_0:
0x88: {  	s2 =	sld [smem:$0x3FD9]  }
0x89: {  	s3 =	sld [smem:$0x3FFE];
	_ =	sdelay $0x1  }
0x8a: {  	s1 =	srdreg.scid  }
0x8b: {  	s0 =	sand.u32 $0x1, s1  }
0x8c: {  	s16 =	sshll.u32 s0, $0xA;
	s2 =	sadd.s32 s3, s2  }
0x8d: {  	s2 =	sadd.s32 s2, s16  }
0x8e: {  	[smem:$0x3FB4] =	sst s2  }
0x8f: {  	_ = 	snop  }
0x90: {  	(tm) =	ssettm $0x1  }
0x91: {  	s17 =	sld [smem:$0x3FFB];
	_ =	sdelay $0x3  }
0x92: {  	_ =	strace s17  }
0x93: {  	s2 =	sld [smem:$0x3FFC];
	_ =	sdelay $0x3  }
0x94: {  	_ =	strace s2  }
0x95: {  	s2 =	sld [smem:$0x3FFD];
	_ =	sdelay $0x3  }
0x96: {  	_ =	strace s2  }
0x97: {  	_ =	strace $0x8FFFFFFF  }
0x98: {  	s18 =	sld [smem:$0x3FDB];
	_ =	sdelay $0x1  }
0x99: {  	s19 =	simm.s32 $_scs_section_size  }
0x9a: {  	s4 =	simm.s32 $_size__tile_overlayer_lowered;
	s5 =	simm.s32 $_tile_overlayer_lowered  }
0x9b: {  	s22 =	simm.s32 $0x1BFF;
	s21 =	sshll.u32 s5, $0x1;
	s2 =	sadd.s32 s19, s18  }
0x9c: {  	s6 =	simm.s32 $0x0;
	s20 =	sshll.u32 s4, $0x1;
	s4 =	sadd.s32 s21, s2  }
0x9d: {  	[timem:s6], [sflag:s22] =	dma.local [hbm:s4], s20  }
0x9e: {  	_ =	swait.ge [sflag:s22], s20  }
0x9f: {  	s3 =	ssub.s32 $0x0, s20;
	[sflag:s22] =	ssyncset.done $0x0  }
0xa0: {  	[sflag:s22] =	ssyncadd.s32 s3;
	_ =	sdelay $0x1  }
0xa1: {  	s23 =	simm.s32 $0x1B8B  }
0xa2: {  	_ =	swait.ge [sflag:s23], $0x1  }
0xa3: {  	[sflag:s23] =	ssyncset.done $0x0  }
0xa4: {  	s25 =	simm.s32 $0x1B8E;
	s24 =	sld [smem:$0x3FFE];
	[sflag:s23] =	ssyncadd.s32 $0xFFFFFFFF  }
0xa5: {  	s26 =	simm.s32 $execute0_lowered;
	[smem:$0x3FD2] =	sst s25  }
0xa6: {  	s4 =	sshll.u32 s26, $0x1;
	_ =	strace $0x80000049;
	[dreg:$0x1] =	wrdreg $0xFFFFFFFF  }
0xa7: {  	s28 =	simm.s32 $_size_execute0_lowered;
	s2 =	sadd.s32 s2, s4;
	[dreg:$0x0] =	wrdreg $0x0  }
0xa8: {  	s4 =	sshll.u32 s28, $0x1;
	[dreg:$0x2] =	wrdreg s2  }
0xa9: {  	[dreg:$0x3] =	wrdreg s4  }
0xaa: {  	[dreg:$0x4] =	wrdreg $0xC0  }
0xab: {  	_ =	task [dreg:s6], $0x5FFFF  }
0xac: {  	[dreg:$0x1] =	wrdreg $0xFFFFFFFF  }
0xad: {  	[dreg:$0x0] =	wrdreg $0x60  }
0xae: {  	[dreg:$0x2] =	wrdreg s24  }
0xaf: {  	[dreg:$0x3] =	wrdreg $0xA6000  }
0xb0: {  	[dreg:$0x4] =	wrdreg $0x9  }
0xb1: {  	_ =	task.clear_ibuf [dreg:s6], $0x5FFFF;
	_ =	strace $0x90000049  }
0xb2: {  	s29 =	simm.s32 $0x9;
	_ =	strace $0x8000004B  }
0xb3: {  	_ =	swait.ge [sflag:s29], $0x1  }
0xb4: {  	[sflag:s29] =	ssyncadd.s32 $0xFFFFFFFF  }
0xb5: {  	_ =	strace $0x9000004B  }
0xb6: {  	_ =	sfence  }
0xb7: {  	s30 =	sld [smem:$0x0];
	_ =	sdelay $0x2  }
0xb8: {  	s31 =	sshll.u32 s1, $0xD;
	s1 =	sshrl.u32 s1, $0x2  }
0xb9: {  	s3 =	sand.u32 $0x4000, s31;
	s1 =	sadd.s32 s1, s30  }
0xba: {  	s0 =	sor.u32 s3, s0;
	s1 =	sshll.u32 s1, $0x11  }
0xbb: {  	s0 =	sor.u32 s1, s0  }
0xbc: {  	s0 =	sadd.s32 $0x8F2B, s0  }
0xbd: {  	[sflag:s0] =	ssyncadd.remote.s32 $0x1  }
0xbe: {  	_ =	sfence.sel $0xFFFF  }
0xbf: {  	[dreg:$0x0] =	wrdreg $0xFFFFFFFF;
	(pc) =	sbr.abs _section_cstart, $3  }
0xc0: {  	[dreg:$0x1] =	wrdreg $0xFFFFFFFF  }
0xc1: {  	_ =	task.clear_ibuf [dreg:s6], $0x2FFFF;
	_ =	strace $0x9FFFFFFF  }
0xc2: {  	(tm) =	ssettm $0x7FFFFFFF  }
0xc3: {  	_ =	shalt  }
tec
execute0_lowered:
.L_overlay_start_1:
0x0: {  	(tag) =	ssettag $0x1  }
0x1: {  	s7 =	rddreg [dreg:$0x0]  }
0x2: {  	s0 =	srdreg.scid;
	s2 =	rddreg [dreg:$0x1]  }
0x3: {  	s1 =	stileid.u32;
	s3 =	simm.s32 $0x0;
	s18 =	simm.s32 $0x2800  }
0x4: {  	s19 =	simm.s32 $0x7D;
	s20 =	simm.s32 $0x2900;
	s21 =	simm.s32 $0x2880  }
0x5: {  	s23 =	simm.s32 $0x6780;
	s24 =	simm.s32 $0x3;
	s25 =	simm.s32 $0x1  }
0x6: {  	s26 =	simm.s32 $0x4;
	s28 =	simm.s32 $0x2;
	s29 =	simm.s32 $0x0  }
0x7: {  	s0 =	sand.u32 $0x1, s0;
	[smem:$0x7FF] =	sst s3;
	s6 =	smul.u32 $0x14000, s1  }
0x8: {  	s12 =	sadd.s32 $0x4200, s7;
	s17 =	smul.u32 $0x500, s1;
	p0 =	seq.s32 s1, $0xF  }
0x9: {  	s4 =	sshll.u32 s0, $0x4;
	_ =	strace $0x8000004A;
	s10 =	smul.u32 $0x27100, s0  }
0xa: {  	s11 =	ssub.s32 $0x2, s0;
	s0 =	smul.u32 $0x5000, s0;
	s4 =	sor.u32 s1, s4  }
0xb: {  	s5 =	sshrl.u32 s6, $0x3;
	s13 =	sshrl.u32 s11, $0x1;
	s16 =	sadd.s32 s6, s2  }
0xc: {  	s8 =	smul.u32 $0x500, s4;
	s4 =	sadd.s32 $0x27000, s7;
	s14 =	sadd.s32 s5, s7  }
0xd: {  	s15 =	sadd.s32 s10, s7;
	s13 =	ssub.s32 s11, s13;
	s0 =	sadd.s32 s0, s12  }
0xe: {  	s16 =	sshrl.u32 @!p0 s16, $0x3;
	s6 =	sadd.s32 $0x4E200, s14;
	s14 =	sadd.s32 $0x12C000, s2  }
0xf: {  	s11 =	sadd.s32 $0x75400, s15;
	s9 =	sadd.s32 s8, s7;
	s7 =	sadd.s32 $0x73A00, s7  }
0x10: {  	s8 =	sadd.s32 s12, s8;
	s12 =	smax.u32 s13, $0x1;
	s13 =	sadd.s32 s17, s0  }
0x11: {  	s0 =	sshll.u32 @!p0 s1, $0x6;
	s14 =	sshrl.u32 @p0 s14, $0x3;
	s17 =	simm.s32 $0x5  }
0x12: {  	s9 =	sadd.s32 $0x1D000, s9;
	s10 =	sadd.s32 $0x10, s8;
	s15 =	sor.u32 @!p0 $0x1C05, s0  }
.LBB2_1:
0x13: {  	s0 =	simm.s32 @p0 $0x1FC5  }
0x14: {  	[spmem:s14], [sflag:s0] =	dma.local @p0 [hbm:s7], $0x1900  }
0x15: {  	s0 =	simm.s32 @p0 $0x5  }
0x16: {  	_ =	swait.ge @p0 [sflag:s0], $0x1900  }
0x17: {  	[sflag:s0] =	ssyncset.done @p0 $0x0  }
0x18: {  	[sflag:s0] =	ssyncadd.s32 @p0 $0xFFFFE700;
	s0 =	simm.s32 @!p0 $0x5  }
0x19: {  	[spmem:s16], [sflag:s15] =	dma.local @!p0 [hbm:s6], $0x2800  }
0x1a: {  	_ =	swait.ge @!p0 [sflag:s0], $0x2800  }
0x1b: {  	[sflag:s0] =	ssyncset.done @!p0 $0x0  }
0x1c: {  	[sflag:s0] =	ssyncadd.s32 @!p0 $0xFFFFD800  }
0x1d: {  	[tilespmem:s3], [sflag:$0x5] =	stream.linear.gather [hbm4b:s9+s3], $0x2800, $0x38;
	[tilespmem:$0x1DE80] =	vst v63  }
0x1e: {  	_ =	swait.ge [sflag:s17], $0x2800  }
0x1f: {  	[sflag:s17] =	ssyncset.done $0x0  }
0x20: {  	[sflag:s17] =	ssyncadd.s32 $0xFFFFD800  }
0x21: {  	[bflag:$0x0] =	sbarrier.arrive $0xFFFF  }
0x22: {  	[tilespmem:s18], [sflag:$0x3] =	stream.linear.gather [hbm4b:s8+s3], $0x80, $0x38;
	[tilespmem:$0x1DE80] =	vst v63  }
0x23: {  	_ = 	snop  }
0x24: {  	[tilespmem:s20], [sflag:$0x1] =	stream.indirect.gather [hbm4b:s4+s19], $0x80, s3, s19, $0xb8;
	[tilespmem:$0x1DE80] =	vst v63  }
0x25: {  	_ = 	snop  }
0x26: {  	[tilespmem:s21], [sflag:$0x4] =	stream.linear.gather [hbm4b:s10+s3], $0x80, $0x38;
	[tilespmem:$0x1DE80] =	vst v63  }
0x27: {  	s1 =	simm.s32 $0x80  }
0x28: {  	[tilespmem:s23], [sflag:$0x2] =	stream.indirect.gather [hbm4b:s4+s19], $0x80, s1, s19, $0xb8;
	[tilespmem:$0x1DE80] =	vst v63  }
0x29: {  	_ =	swait.ge [sflag:s24], $0x80  }
0x2a: {  	[sflag:s24] =	ssyncset.done $0x0  }
0x2b: {  	[sflag:s24] =	ssyncadd.s32 $0xFFFFFF80  }
0x2c: {  	_ =	swait.ge [sflag:s25], $0x3E80  }
0x2d: {  	[sflag:s25] =	ssyncset.done $0x0  }
0x2e: {  	[sflag:s25] =	ssyncadd.s32 $0xFFFFC180  }
0x2f: {  	[spmem:s2] =	stream.indirect.scatter.add.f32 [tilespmem:s20], [sflag:$0x5], $0x80, s18, s19, $0xb8;
	[tilespmem:$0x1DE80] =	vst v63  }
0x30: {  	_ =	swait.ge [sflag:s17], $0x3E80  }
0x31: {  	s22 =	sadd.s32 $0x0, s13;
	[sflag:s17] =	ssyncset.done $0x0  }
0x32: {  	s30 =	sadd.s32 $0x20, s22;
	[sflag:s17] =	ssyncadd.s32 $0xFFFFC180  }
0x33: {  	[tilespmem:s18], [sflag:$0x3] =	stream.linear.gather [hbm4b:s30+s3], $0x80, $0x38;
	[tilespmem:$0x1DE80] =	vst v63  }
0x34: {  	s30 =	simm.s32 $0x100  }
0x35: {  	[tilespmem:s20], [sflag:$0x1] =	stream.indirect.gather [hbm4b:s4+s19], $0x80, s30, s19, $0xb8;
	[tilespmem:$0x1DE80] =	vst v63  }
0x36: {  	_ =	swait.ge [sflag:s26], $0x80  }
0x37: {  	[sflag:s26] =	ssyncset.done $0x0  }
0x38: {  	[sflag:s26] =	ssyncadd.s32 $0xFFFFFF80  }
0x39: {  	_ =	swait.ge [sflag:s28], $0x3E80  }
0x3a: {  	[sflag:s28] =	ssyncset.done $0x0  }
0x3b: {  	[sflag:s28] =	ssyncadd.s32 $0xFFFFC180  }
0x3c: {  	[spmem:s2] =	stream.indirect.scatter.add.f32 [tilespmem:s23], [sflag:$0x5], $0x80, s21, s19, $0xb8;
	[tilespmem:$0x1DE80] =	vst v63  }
0x3d: {  	_ =	swait.ge [sflag:s17], $0x3E80  }
0x3e: {  	[sflag:s17] =	ssyncset.done $0x0  }
0x3f: {  	s0 =	sadd.s32 $0x30, s22;
	[sflag:s17] =	ssyncadd.s32 $0xFFFFC180  }
0x40: {  	[tilespmem:s21], [sflag:$0x4] =	stream.linear.gather [hbm4b:s0+s3], $0x80, $0x38;
	[tilespmem:$0x1DE80] =	vst v63  }
0x41: {  	s31 =	simm.s32 $0x20;
	s30 =	simm.s32 $0x180;
	s0 =	simm.s32 $0x280  }
.LBB2_2:
0x42: {  	[tilespmem:s23], [sflag:$0x2] =	stream.indirect.gather [hbm4b:s4+s19], $0x80, s30, s19, $0xb8;
	[tilespmem:$0x1DE80] =	vst v63  }
0x43: {  	s1 =	smov.u32 s31;
	s30 =	smov.u32 s0  }
0x44: {  	p1 =	sne.s32 s31, $0x4C0;
	s31 =	sadd.s32 $0x20, s31;
	_ =	swait.ge [sflag:s24], $0x80  }
0x45: {  	[sflag:s24] =	ssyncset.done $0x0  }
0x46: {  	[sflag:s24] =	ssyncadd.s32 $0xFFFFFF80  }
0x47: {  	_ =	swait.ge [sflag:s25], $0x3E80  }
0x48: {  	[sflag:s25] =	ssyncset.done $0x0  }
0x49: {  	[sflag:s25] =	ssyncadd.s32 $0xFFFFC180  }
0x4a: {  	[spmem:s2] =	stream.indirect.scatter.add.f32 [tilespmem:s20], [sflag:$0x5], $0x80, s18, s19, $0xb8;
	[tilespmem:$0x1DE80] =	vst v63  }
0x4b: {  	_ =	swait.ge [sflag:s17], $0x3E80  }
0x4c: {  	s1 =	sadd.s32 s1, s13;
	[sflag:s17] =	ssyncset.done $0x0  }
0x4d: {  	s22 =	sadd.s32 $0x20, s1;
	[sflag:s17] =	ssyncadd.s32 $0xFFFFC180  }
0x4e: {  	[tilespmem:s18], [sflag:$0x3] =	stream.linear.gather [hbm4b:s22+s3], $0x80, $0x38;
	[tilespmem:$0x1DE80] =	vst v63  }
0x4f: {  	s22 =	sadd.s32 $0xFFFFFF80, s0  }
0x50: {  	[tilespmem:s20], [sflag:$0x1] =	stream.indirect.gather [hbm4b:s4+s19], $0x80, s22, s19, $0xb8;
	[tilespmem:$0x1DE80] =	vst v63  }
0x51: {  	_ =	swait.ge [sflag:s26], $0x80  }
0x52: {  	[sflag:s26] =	ssyncset.done $0x0  }
0x53: {  	[sflag:s26] =	ssyncadd.s32 $0xFFFFFF80  }
0x54: {  	_ =	swait.ge [sflag:s28], $0x3E80  }
0x55: {  	[sflag:s28] =	ssyncset.done $0x0  }
0x56: {  	[sflag:s28] =	ssyncadd.s32 $0xFFFFC180  }
0x57: {  	[spmem:s2] =	stream.indirect.scatter.add.f32 [tilespmem:s23], [sflag:$0x5], $0x80, s21, s19, $0xb8;
	[tilespmem:$0x1DE80] =	vst v63  }
.Ltmp0:
0x58: {  	_ =	swait.ge [sflag:s17], $0x3E80;
	(pc) =	sbr.rel @p1 .LBB2_2-.Ltmp0, $4  }
0x59: {  	[sflag:s17] =	ssyncset.done $0x0  }
0x5a: {  	s1 =	sadd.s32 $0x30, s1;
	[sflag:s17] =	ssyncadd.s32 $0xFFFFC180  }
0x5b: {  	[tilespmem:s21], [sflag:$0x4] =	stream.linear.gather [hbm4b:s1+s3], $0x80, $0x38;
	[tilespmem:$0x1DE80] =	vst v63  }
0x5c: {  	s0 =	sadd.s32 $0x100, s0  }
0x5d: {  	[tilespmem:s23], [sflag:$0x2] =	stream.indirect.gather [hbm4b:s4+s19], $0x80, s30, s19, $0xb8;
	[tilespmem:$0x1DE80] =	vst v63  }
0x5e: {  	_ =	swait.ge [sflag:s24], $0x80  }
0x5f: {  	[sflag:s24] =	ssyncset.done $0x0  }
0x60: {  	[sflag:s24] =	ssyncadd.s32 $0xFFFFFF80  }
0x61: {  	_ =	swait.ge [sflag:s25], $0x3E80  }
0x62: {  	[sflag:s25] =	ssyncset.done $0x0  }
0x63: {  	[sflag:s25] =	ssyncadd.s32 $0xFFFFC180  }
0x64: {  	[spmem:s2] =	stream.indirect.scatter.add.f32 [tilespmem:s20], [sflag:$0x5], $0x80, s18, s19, $0xb8;
	[tilespmem:$0x1DE80] =	vst v63  }
0x65: {  	_ =	swait.ge [sflag:s17], $0x3E80  }
0x66: {  	[sflag:s17] =	ssyncset.done $0x0  }
0x67: {  	[sflag:s17] =	ssyncadd.s32 $0xFFFFC180  }
0x68: {  	_ =	swait.ge [sflag:s26], $0x80  }
0x69: {  	[sflag:s26] =	ssyncset.done $0x0  }
0x6a: {  	[sflag:s26] =	ssyncadd.s32 $0xFFFFFF80  }
0x6b: {  	_ =	swait.ge [sflag:s28], $0x3E80  }
0x6c: {  	[sflag:s28] =	ssyncset.done $0x0  }
0x6d: {  	[sflag:s28] =	ssyncadd.s32 $0xFFFFC180  }
0x6e: {  	[spmem:s2] =	stream.indirect.scatter.add.f32 [tilespmem:s23], [sflag:$0x5], $0x80, s21, s19, $0xb8;
	[tilespmem:$0x1DE80] =	vst v63  }
0x6f: {  	_ =	swait.ge [sflag:s17], $0x3E80  }
0x70: {  	[sflag:s17] =	ssyncset.done $0x0  }
0x71: {  	[sflag:s17] =	ssyncadd.s32 $0xFFFFC180  }
0x72: {  	s0 =	sadd.s32 @p0 $0x25800, s11;
	s1 =	simm.s32 @p0 $0x1FC5;
	[bflag:$0x0] =	sbarrier.arrive $0xFFFF  }
0x73: {  	[hbm:s0], [sflag:s1] =	dma.local @p0 [spmem:s14], $0x1900  }
0x74: {  	s0 =	simm.s32 @p0 $0x5  }
0x75: {  	_ =	swait.ge @p0 [sflag:s0], $0x1900  }
0x76: {  	s29 =	sadd.s32 $0x1, s29;
	[sflag:s0] =	ssyncset.done @p0 $0x0  }
0x77: {  	p1 =	sne.s32 s29, s12;
	[sflag:s0] =	ssyncadd.s32 @p0 $0xFFFFE700;
	s0 =	sadd.s32 @!p0 s5, s11  }
0x78: {  	[hbm:s0], [sflag:s15] =	dma.local @!p0 [spmem:s16], $0x2800  }
.Ltmp1:
0x79: {  	_ = 	snop;
	(pc) =	sbr.rel @p1 .LBB2_1-.Ltmp1, $4  }
0x7a: {  	s0 =	simm.s32 @!p0 $0x5  }
0x7b: {  	_ =	swait.ge @!p0 [sflag:s0], $0x2800  }
0x7c: {  	[sflag:s0] =	ssyncset.done @!p0 $0x0  }
0x7d: {  	[sflag:s0] =	ssyncadd.s32 @!p0 $0xFFFFD800  }
0x7e: {  	_ =	sfence.sel $0x180000  }
0x7f: {  	[bflag:$0x0] =	sbarrier.arrive $0xFFFF  }
0x80: {  	_ =	strace $0x9000004A  }
0x81: {  	s0 =	stileid.u32;
	[bflag:$0x2] =	sbarrier.arrive $0xFFFF  }
0x82: {  	p0 =	sne.s32 s0, $0x0;
	s0 =	rddreg [dreg:$0x2]  }
0x83: {  	s0 =	sadd.s32 @!p0 $0x100000, s0  }
0x84: {  	[sflag:s0] =	ssyncadd.tile.s32 @!p0 $0x1;
	_ =	shalt  }
.Lfunc_end2:
_tile_overlayer_lowered:
.L_overlay_start_2:
0x85: {  	(tag) =	ssettag $0x2  }
0x86: {  	s0 =	rddreg [dreg:$0x0];
	s2 =	stileid.u32  }
0x87: {  	s1 =	rddreg [dreg:$0x1];
	p0 =	sne.s32 s2, $0x0  }
0x88: {  	s3 =	rddreg [dreg:$0x2];
	[bflag:$0x3] =	sbarrier.arrive $0xFFFF;
	s2 =	simm.s32 @!p0 $0x1C05  }
0x89: {  	[timem:s3], [sflag:s2] =	dma.local @!p0 [hbm:s0], s1  }
0x8a: {  	s0 =	simm.s32 @!p0 $0x5  }
0x8b: {  	_ =	swait.ge @!p0 [sflag:s0], s1  }
0x8c: {  	s1 =	ssub.s32 @!p0 $0x0, s1;
	[sflag:s0] =	ssyncset.done @!p0 $0x0  }
0x8d: {  	[sflag:s0] =	ssyncadd.s32 @!p0 s1  }
0x8e: {  	[bflag:$0x3] =	sbarrier.arrive $0xFFFF  }
0x8f: {  	_ =	shalt  }

// kernel: kernel.16.cloned.1.call-start
scs
__scs_entry_jumppad:
0x0: {  	(pc) =	sbr.rel $0x88, $3  }
0x1: {  	(tag) =	ssettag $0x0;
	lr =	simm.s32 $0x1  }
0x2: {  	[smem:$0x3F8D] =	sst lr;
	_ =	strace $0xD0000000  }
0x3: {  	_ = 	snop  }
0x4: {  	_ = 	snop  }
0x5: {  	_ = 	snop  }
0x6: {  	_ = 	snop  }
0x7: {  	_ = 	snop  }
__scs_overlays_trampoline_lowered:
0x8: {  	[smem:$0x3F9C] =	sst s0  }
0x9: {  	[smem:$0x3F9D] =	sst s1  }
0xa: {  	[smem:$0x3F9E] =	sst s2  }
0xb: {  	[smem:$0x3F9F] =	sst s3  }
0xc: {  	[smem:$0x3FA0] =	sst s4  }
0xd: {  	[smem:$0x3FA1] =	sst s5  }
0xe: {  	[smem:$0x3FA2] =	sst s6  }
0xf: {  	[smem:$0x3FA3] =	sst s7  }
0x10: {  	[smem:$0x3FA4] =	sst s8  }
0x11: {  	[smem:$0x3FA5] =	sst s9;
	s0 =	simm.s32 @!p0 $0x0  }
0x12: {  	s1 =	sld [smem:$0x3F8B];
	s0 =	simm.s32 @p0 $0x1  }
0x13: {  	[smem:$0x3FA6] =	sst s0;
	s0 =	simm.s32 @!p1 $0x0  }
0x14: {  	s2 =	sld [smem:$0x3F8A];
	s0 =	simm.s32 @p1 $0x1  }
0x15: {  	[smem:$0x3FA7] =	sst s0;
	s0 =	simm.s32 @!p2 $0x0  }
0x16: {  	s3 =	sld [smem:$0x3FDB];
	s0 =	simm.s32 @p2 $0x1  }
0x17: {  	s4 =	simm.s32 $0x1BF5;
	[smem:$0x3FA9] =	sst s0  }
0x18: {  	s0 =	sld [smem:$0x3F8C];
	_ =	swait.ge [sflag:s4], $0x0  }
0x19: {  	s7 =	sld [smem:$0x3F8D]  }
0x1a: {  	s8 =	sadd.s32 $0xFFFFE003, lr  }
0x1b: {  	s9 =	sadd.s32 $0xFFFFFEF7, lr;
	s5 =	simm.s32 $0xFFFFFFFF;
	p2 =	slt.u32 s8, $0xFFFFF086  }
0x1c: {  	p1 =	slt.u32 s9, $0xF7A;
	s5 =	simm.s32 @!p2 $0x0  }
0x1d: {  	s5 =	simm.s32 @p1 $0x1;
	p0 =	seq.s32 s7, s2  }
0x1e: {  	s7 =	smul.u32 @!p0 $0xF7A, s2;
	p2 =	seq.s32 @!p0 s5, $0x0  }
0x1f: {  	s9 =	smul.u32 $0xF7A, s1;
	s8 =	simm.s32 @!p0 $0x1BF5;
	p2 =	por !p2, p0  }
0x20: {  	[sflag:s8] =	ssyncset.s32 @!p0 $0xFFFFF086;
	s6 =	sadd.s32 @!p0 s3, s7;
	s7 =	simm.s32 @!p0 $0x108  }
0x21: {  	s3 =	sadd.s32 s3, s9;
	s6 =	sadd.s32 @!p0 $0x88, s6;
	s7 =	simm.s32 @p2 $0x1082  }
0x22: {  	[simem:s7], [sflag:s8] =	dma.local @!p0 [hbm:s6], $0xF7A  }
0x23: {  	s9 =	sor.u32 $0xD0000000, s2;
	s6 =	simm.s32 $0x108;
	_ =	swait.ge @!p0 [sflag:s8], $0x0  }
0x24: {  	s3 =	sadd.s32 $0x88, s3;
	s6 =	simm.s32 @!p1 $0x1082;
	[sflag:s4] =	ssyncset.s32 $0xFFFFF086  }
0x25: {  	[simem:s6], [sflag:s4] =	dma.local [hbm:s3], $0xF7A  }
0x26: {  	[smem:$0x3F8D] =	sst s1;
	(tag) =	ssettag s2;
	_ =	strace s9  }
0x27: {  	s1 =	sld [smem:$0x3F9D]  }
0x28: {  	s2 =	sld [smem:$0x3F9E]  }
0x29: {  	s4 =	sld [smem:$0x3FA0]  }
0x2a: {  	p0 =	seq.s32 s5, $0x0;
	s5 =	sld [smem:$0x3FA1]  }
0x2b: {  	s6 =	sld [smem:$0x3FA2]  }
0x2c: {  	s7 =	sld [smem:$0x3FA3]  }
0x2d: {  	s3 =	simm.s32 $0x108;
	s8 =	sld [smem:$0x3FA4]  }
0x2e: {  	s3 =	simm.s32 @!p0 $0x1082;
	s9 =	sld [smem:$0x3FA5]  }
0x2f: {  	lr =	sadd.s32 s0, s3;
	s0 =	sld [smem:$0x3F9C]  }
0x30: {  	s3 =	sld [smem:$0x3F9F]  }
0x31: {  	[smem:$0x3FA8] =	sst s10  }
0x32: {  	s10 =	sld [smem:$0x3FA6];
	_ =	sdelay $0x3  }
0x33: {  	p0 =	seq.s32 s10, $0x1;
	s10 =	sld [smem:$0x3FA8];
	_ =	sdelay $0x3  }
0x34: {  	[smem:$0x3FA8] =	sst s10  }
0x35: {  	s10 =	sld [smem:$0x3FA7];
	_ =	sdelay $0x3  }
0x36: {  	p1 =	seq.s32 s10, $0x1;
	s10 =	sld [smem:$0x3FA8];
	_ =	sdelay $0x3  }
0x37: {  	[smem:$0x3FA8] =	sst s10  }
0x38: {  	s10 =	sld [smem:$0x3FA9]  }
0x39: {  	_ = 	snop;
	(pc) =	sbr.ind lr, $3  }
0x3a: {  	_ = 	snop  }
0x3b: {  	_ = 	snop  }
0x3c: {  	p2 =	seq.s32 s10, $0x1;
	s10 =	sld [smem:$0x3FA8]  }
0x3d: {  	_ =	shalt  }
0x3e: {  	_ =	shalt  }
0x3f: {  	_ =	shalt  }
0x40: {  	_ =	shalt  }
0x41: {  	_ =	shalt  }
0x42: {  	_ =	shalt  }
0x43: {  	_ =	shalt  }
0x44: {  	_ =	shalt  }
0x45: {  	_ =	shalt  }
0x46: {  	_ =	shalt  }
0x47: {  	_ =	shalt  }
0x48: {  	_ =	shalt  }
0x49: {  	_ =	shalt  }
0x4a: {  	_ =	shalt  }
0x4b: {  	_ =	shalt  }
0x4c: {  	_ =	shalt  }
0x4d: {  	_ =	shalt  }
0x4e: {  	_ =	shalt  }
0x4f: {  	_ =	shalt  }
0x50: {  	_ =	shalt  }
0x51: {  	_ =	shalt  }
0x52: {  	_ =	shalt  }
0x53: {  	_ =	shalt  }
0x54: {  	_ =	shalt  }
0x55: {  	_ =	shalt  }
0x56: {  	_ =	shalt  }
0x57: {  	_ =	shalt  }
0x58: {  	_ =	shalt  }
0x59: {  	_ =	shalt  }
0x5a: {  	_ =	shalt  }
0x5b: {  	_ =	shalt  }
0x5c: {  	_ =	shalt  }
0x5d: {  	_ =	shalt  }
0x5e: {  	_ =	shalt  }
0x5f: {  	_ =	shalt  }
0x60: {  	_ =	shalt  }
0x61: {  	_ =	shalt  }
0x62: {  	_ =	shalt  }
0x63: {  	_ =	shalt  }
0x64: {  	_ =	shalt  }
0x65: {  	_ =	shalt  }
0x66: {  	_ =	shalt  }
0x67: {  	_ =	shalt  }
0x68: {  	_ =	shalt  }
0x69: {  	_ =	shalt  }
0x6a: {  	_ =	shalt  }
0x6b: {  	_ =	shalt  }
0x6c: {  	_ =	shalt  }
0x6d: {  	_ =	shalt  }
0x6e: {  	_ =	shalt  }
0x6f: {  	_ =	shalt  }
0x70: {  	_ =	shalt  }
0x71: {  	_ =	shalt  }
0x72: {  	_ =	shalt  }
0x73: {  	_ =	shalt  }
0x74: {  	_ =	shalt  }
0x75: {  	_ =	shalt  }
0x76: {  	_ =	shalt  }
0x77: {  	_ =	shalt  }
0x78: {  	_ =	shalt  }
0x79: {  	_ =	shalt  }
0x7a: {  	_ =	shalt  }
0x7b: {  	_ =	shalt  }
0x7c: {  	_ =	shalt  }
0x7d: {  	_ =	shalt  }
0x7e: {  	_ =	shalt  }
0x7f: {  	_ =	shalt  }
0x80: {  	_ =	shalt  }
0x81: {  	_ =	shalt  }
0x82: {  	_ =	shalt  }
0x83: {  	_ =	shalt  }
0x84: {  	_ =	shalt  }
0x85: {  	_ =	shalt  }
0x86: {  	_ =	shalt  }
0x87: {  	_ =	shalt  }
.Lfunc_end0:
.L_simem_size_0:
called_computation.2_lowered:
.L_overlay_start_0:
0x88: {  	s2 =	sld [smem:$0x3FD9]  }
0x89: {  	s3 =	sld [smem:$0x3FFE];
	_ =	sdelay $0x1  }
0x8a: {  	s1 =	srdreg.scid  }
0x8b: {  	s0 =	sand.u32 $0x1, s1  }
0x8c: {  	s16 =	sshll.u32 s0, $0xA;
	s2 =	sadd.s32 s3, s2  }
0x8d: {  	s2 =	sadd.s32 s2, s16  }
0x8e: {  	[smem:$0x3FB4] =	sst s2  }
0x8f: {  	_ = 	snop  }
0x90: {  	(tm) =	ssettm $0x1  }
0x91: {  	s17 =	sld [smem:$0x3FFB];
	_ =	sdelay $0x3  }
0x92: {  	_ =	strace s17  }
0x93: {  	s2 =	sld [smem:$0x3FFC];
	_ =	sdelay $0x3  }
0x94: {  	_ =	strace s2  }
0x95: {  	s2 =	sld [smem:$0x3FFD];
	_ =	sdelay $0x3  }
0x96: {  	_ =	strace s2  }
0x97: {  	_ =	strace $0x8FFFFFFF  }
0x98: {  	s18 =	sld [smem:$0x3FDB];
	_ =	sdelay $0x1  }
0x99: {  	s19 =	simm.s32 $_scs_section_size  }
0x9a: {  	s4 =	simm.s32 $_size__tile_overlayer_lowered;
	s5 =	simm.s32 $_tile_overlayer_lowered  }
0x9b: {  	s22 =	simm.s32 $0x1BFF;
	s21 =	sshll.u32 s5, $0x1;
	s2 =	sadd.s32 s19, s18  }
0x9c: {  	s6 =	simm.s32 $0x0;
	s20 =	sshll.u32 s4, $0x1;
	s4 =	sadd.s32 s21, s2  }
0x9d: {  	[timem:s6], [sflag:s22] =	dma.local [hbm:s4], s20  }
0x9e: {  	_ =	swait.ge [sflag:s22], s20  }
0x9f: {  	s3 =	ssub.s32 $0x0, s20;
	[sflag:s22] =	ssyncset.done $0x0  }
0xa0: {  	[sflag:s22] =	ssyncadd.s32 s3;
	_ =	sdelay $0x1  }
0xa1: {  	s23 =	simm.s32 $0x1B8B  }
0xa2: {  	_ =	swait.ge [sflag:s23], $0x1  }
0xa3: {  	[sflag:s23] =	ssyncset.done $0x0  }
0xa4: {  	s25 =	simm.s32 $0x1B8E;
	s24 =	sld [smem:$0x3FFE];
	[sflag:s23] =	ssyncadd.s32 $0xFFFFFFFF  }
0xa5: {  	s26 =	simm.s32 $execute0_lowered;
	[smem:$0x3FD2] =	sst s25  }
0xa6: {  	s4 =	sshll.u32 s26, $0x1;
	_ =	strace $0x8000004C;
	[dreg:$0x1] =	wrdreg $0xFFFFFFFF  }
0xa7: {  	s28 =	simm.s32 $_size_execute0_lowered;
	s2 =	sadd.s32 s2, s4;
	[dreg:$0x0] =	wrdreg $0x0  }
0xa8: {  	s4 =	sshll.u32 s28, $0x1;
	[dreg:$0x2] =	wrdreg s2  }
0xa9: {  	[dreg:$0x3] =	wrdreg s4  }
0xaa: {  	[dreg:$0x4] =	wrdreg $0xC0  }
0xab: {  	_ =	task [dreg:s6], $0x5FFFF  }
0xac: {  	[dreg:$0x1] =	wrdreg $0xFFFFFFFF  }
0xad: {  	[dreg:$0x0] =	wrdreg $0x60  }
0xae: {  	[dreg:$0x2] =	wrdreg s24  }
0xaf: {  	[dreg:$0x3] =	wrdreg $0xA6000  }
0xb0: {  	[dreg:$0x4] =	wrdreg $0x9  }
0xb1: {  	_ =	task.clear_ibuf [dreg:s6], $0x5FFFF;
	_ =	strace $0x9000004C  }
0xb2: {  	s29 =	simm.s32 $0x9;
	_ =	strace $0x8000004E  }
0xb3: {  	_ =	swait.ge [sflag:s29], $0x1  }
0xb4: {  	[sflag:s29] =	ssyncadd.s32 $0xFFFFFFFF  }
0xb5: {  	_ =	strace $0x9000004E  }
0xb6: {  	_ =	sfence  }
0xb7: {  	s30 =	sld [smem:$0x0];
	_ =	sdelay $0x2  }
0xb8: {  	s31 =	sshll.u32 s1, $0xD;
	s1 =	sshrl.u32 s1, $0x2  }
0xb9: {  	s3 =	sand.u32 $0x4000, s31;
	s1 =	sadd.s32 s1, s30  }
0xba: {  	s0 =	sor.u32 s3, s0;
	s1 =	sshll.u32 s1, $0x11  }
0xbb: {  	s0 =	sor.u32 s1, s0  }
0xbc: {  	s0 =	sadd.s32 $0x8F2B, s0  }
0xbd: {  	[sflag:s0] =	ssyncadd.remote.s32 $0x1  }
0xbe: {  	_ =	sfence.sel $0xFFFF  }
0xbf: {  	[dreg:$0x0] =	wrdreg $0xFFFFFFFF;
	(pc) =	sbr.abs _section_cstart, $3  }
0xc0: {  	[dreg:$0x1] =	wrdreg $0xFFFFFFFF  }
0xc1: {  	_ =	task.clear_ibuf [dreg:s6], $0x2FFFF;
	_ =	strace $0x9FFFFFFF  }
0xc2: {  	(tm) =	ssettm $0x7FFFFFFF  }
0xc3: {  	_ =	shalt  }
tec
execute0_lowered:
.L_overlay_start_1:
0x0: {  	(tag) =	ssettag $0x1  }
0x1: {  	s7 =	rddreg [dreg:$0x0]  }
0x2: {  	s0 =	srdreg.scid;
	s2 =	rddreg [dreg:$0x1]  }
0x3: {  	s1 =	stileid.u32;
	s3 =	simm.s32 $0x0;
	s18 =	simm.s32 $0x2800  }
0x4: {  	s19 =	simm.s32 $0x7D;
	s20 =	simm.s32 $0x2900;
	s21 =	simm.s32 $0x2880  }
0x5: {  	s23 =	simm.s32 $0x6780;
	s24 =	simm.s32 $0x3;
	s25 =	simm.s32 $0x1  }
0x6: {  	s26 =	simm.s32 $0x4;
	s28 =	simm.s32 $0x2;
	s29 =	simm.s32 $0x0  }
0x7: {  	s0 =	sand.u32 $0x1, s0;
	[smem:$0x7FF] =	sst s3;
	s6 =	smul.u32 $0x14000, s1  }
0x8: {  	s12 =	sadd.s32 $0x4200, s7;
	s17 =	smul.u32 $0x500, s1;
	p0 =	seq.s32 s1, $0xF  }
0x9: {  	s4 =	sshll.u32 s0, $0x4;
	_ =	strace $0x8000004D;
	s10 =	smul.u32 $0x27100, s0  }
0xa: {  	s11 =	ssub.s32 $0x2, s0;
	s0 =	smul.u32 $0x5000, s0;
	s4 =	sor.u32 s1, s4  }
0xb: {  	s5 =	sshrl.u32 s6, $0x3;
	s13 =	sshrl.u32 s11, $0x1;
	s16 =	sadd.s32 s6, s2  }
0xc: {  	s8 =	smul.u32 $0x500, s4;
	s4 =	sadd.s32 $0x27000, s7;
	s14 =	sadd.s32 s5, s7  }
0xd: {  	s15 =	sadd.s32 s10, s7;
	s13 =	ssub.s32 s11, s13;
	s0 =	sadd.s32 s0, s12  }
0xe: {  	s16 =	sshrl.u32 @!p0 s16, $0x3;
	s6 =	sadd.s32 $0x4E200, s14;
	s14 =	sadd.s32 $0x12C000, s2  }
0xf: {  	s11 =	sadd.s32 $0x75400, s15;
	s9 =	sadd.s32 s8, s7;
	s7 =	sadd.s32 $0x73A00, s7  }
0x10: {  	s8 =	sadd.s32 s12, s8;
	s12 =	smax.u32 s13, $0x1;
	s13 =	sadd.s32 s17, s0  }
0x11: {  	s0 =	sshll.u32 @!p0 s1, $0x6;
	s14 =	sshrl.u32 @p0 s14, $0x3;
	s17 =	simm.s32 $0x5  }
0x12: {  	s9 =	sadd.s32 $0x1D000, s9;
	s10 =	sadd.s32 $0x10, s8;
	s15 =	sor.u32 @!p0 $0x1C05, s0  }
.LBB2_1:
0x13: {  	s0 =	simm.s32 @p0 $0x1FC5  }
0x14: {  	[spmem:s14], [sflag:s0] =	dma.local @p0 [hbm:s7], $0x1900  }
0x15: {  	s0 =	simm.s32 @p0 $0x5  }
0x16: {  	_ =	swait.ge @p0 [sflag:s0], $0x1900  }
0x17: {  	[sflag:s0] =	ssyncset.done @p0 $0x0  }
0x18: {  	[sflag:s0] =	ssyncadd.s32 @p0 $0xFFFFE700;
	s0 =	simm.s32 @!p0 $0x5  }
0x19: {  	[spmem:s16], [sflag:s15] =	dma.local @!p0 [hbm:s6], $0x2800  }
0x1a: {  	_ =	swait.ge @!p0 [sflag:s0], $0x2800  }
0x1b: {  	[sflag:s0] =	ssyncset.done @!p0 $0x0  }
0x1c: {  	[sflag:s0] =	ssyncadd.s32 @!p0 $0xFFFFD800  }
0x1d: {  	[tilespmem:s3], [sflag:$0x5] =	stream.linear.gather [hbm4b:s9+s3], $0x2800, $0x38;
	[tilespmem:$0x1DE80] =	vst v63  }
0x1e: {  	_ =	swait.ge [sflag:s17], $0x2800  }
0x1f: {  	[sflag:s17] =	ssyncset.done $0x0  }
0x20: {  	[sflag:s17] =	ssyncadd.s32 $0xFFFFD800  }
0x21: {  	[bflag:$0x0] =	sbarrier.arrive $0xFFFF  }
0x22: {  	[tilespmem:s18], [sflag:$0x3] =	stream.linear.gather [hbm4b:s8+s3], $0x80, $0x38;
	[tilespmem:$0x1DE80] =	vst v63  }
0x23: {  	_ = 	snop  }
0x24: {  	[tilespmem:s20], [sflag:$0x1] =	stream.indirect.gather [hbm4b:s4+s19], $0x80, s3, s19, $0xb8;
	[tilespmem:$0x1DE80] =	vst v63  }
0x25: {  	_ = 	snop  }
0x26: {  	[tilespmem:s21], [sflag:$0x4] =	stream.linear.gather [hbm4b:s10+s3], $0x80, $0x38;
	[tilespmem:$0x1DE80] =	vst v63  }
0x27: {  	s1 =	simm.s32 $0x80  }
0x28: {  	[tilespmem:s23], [sflag:$0x2] =	stream.indirect.gather [hbm4b:s4+s19], $0x80, s1, s19, $0xb8;
	[tilespmem:$0x1DE80] =	vst v63  }
0x29: {  	_ =	swait.ge [sflag:s24], $0x80  }
0x2a: {  	[sflag:s24] =	ssyncset.done $0x0  }
0x2b: {  	[sflag:s24] =	ssyncadd.s32 $0xFFFFFF80  }
0x2c: {  	_ =	swait.ge [sflag:s25], $0x3E80  }
0x2d: {  	[sflag:s25] =	ssyncset.done $0x0  }
0x2e: {  	[sflag:s25] =	ssyncadd.s32 $0xFFFFC180  }
0x2f: {  	[spmem:s2] =	stream.indirect.scatter.add.f32 [tilespmem:s20], [sflag:$0x5], $0x80, s18, s19, $0xb8;
	[tilespmem:$0x1DE80] =	vst v63  }
0x30: {  	_ =	swait.ge [sflag:s17], $0x3E80  }
0x31: {  	s22 =	sadd.s32 $0x0, s13;
	[sflag:s17] =	ssyncset.done $0x0  }
0x32: {  	s30 =	sadd.s32 $0x20, s22;
	[sflag:s17] =	ssyncadd.s32 $0xFFFFC180  }
0x33: {  	[tilespmem:s18], [sflag:$0x3] =	stream.linear.gather [hbm4b:s30+s3], $0x80, $0x38;
	[tilespmem:$0x1DE80] =	vst v63  }
0x34: {  	s30 =	simm.s32 $0x100  }
0x35: {  	[tilespmem:s20], [sflag:$0x1] =	stream.indirect.gather [hbm4b:s4+s19], $0x80, s30, s19, $0xb8;
	[tilespmem:$0x1DE80] =	vst v63  }
0x36: {  	_ =	swait.ge [sflag:s26], $0x80  }
0x37: {  	[sflag:s26] =	ssyncset.done $0x0  }
0x38: {  	[sflag:s26] =	ssyncadd.s32 $0xFFFFFF80  }
0x39: {  	_ =	swait.ge [sflag:s28], $0x3E80  }
0x3a: {  	[sflag:s28] =	ssyncset.done $0x0  }
0x3b: {  	[sflag:s28] =	ssyncadd.s32 $0xFFFFC180  }
0x3c: {  	[spmem:s2] =	stream.indirect.scatter.add.f32 [tilespmem:s23], [sflag:$0x5], $0x80, s21, s19, $0xb8;
	[tilespmem:$0x1DE80] =	vst v63  }
0x3d: {  	_ =	swait.ge [sflag:s17], $0x3E80  }
0x3e: {  	[sflag:s17] =	ssyncset.done $0x0  }
0x3f: {  	s0 =	sadd.s32 $0x30, s22;
	[sflag:s17] =	ssyncadd.s32 $0xFFFFC180  }
0x40: {  	[tilespmem:s21], [sflag:$0x4] =	stream.linear.gather [hbm4b:s0+s3], $0x80, $0x38;
	[tilespmem:$0x1DE80] =	vst v63  }
0x41: {  	s31 =	simm.s32 $0x20;
	s30 =	simm.s32 $0x180;
	s0 =	simm.s32 $0x280  }
.LBB2_2:
0x42: {  	[tilespmem:s23], [sflag:$0x2] =	stream.indirect.gather [hbm4b:s4+s19], $0x80, s30, s19, $0xb8;
	[tilespmem:$0x1DE80] =	vst v63  }
0x43: {  	s1 =	smov.u32 s31;
	s30 =	smov.u32 s0  }
0x44: {  	p1 =	sne.s32 s31, $0x4C0;
	s31 =	sadd.s32 $0x20, s31;
	_ =	swait.ge [sflag:s24], $0x80  }
0x45: {  	[sflag:s24] =	ssyncset.done $0x0  }
0x46: {  	[sflag:s24] =	ssyncadd.s32 $0xFFFFFF80  }
0x47: {  	_ =	swait.ge [sflag:s25], $0x3E80  }
0x48: {  	[sflag:s25] =	ssyncset.done $0x0  }
0x49: {  	[sflag:s25] =	ssyncadd.s32 $0xFFFFC180  }
0x4a: {  	[spmem:s2] =	stream.indirect.scatter.add.f32 [tilespmem:s20], [sflag:$0x5], $0x80, s18, s19, $0xb8;
	[tilespmem:$0x1DE80] =	vst v63  }
0x4b: {  	_ =	swait.ge [sflag:s17], $0x3E80  }
0x4c: {  	s1 =	sadd.s32 s1, s13;
	[sflag:s17] =	ssyncset.done $0x0  }
0x4d: {  	s22 =	sadd.s32 $0x20, s1;
	[sflag:s17] =	ssyncadd.s32 $0xFFFFC180  }
0x4e: {  	[tilespmem:s18], [sflag:$0x3] =	stream.linear.gather [hbm4b:s22+s3], $0x80, $0x38;
	[tilespmem:$0x1DE80] =	vst v63  }
0x4f: {  	s22 =	sadd.s32 $0xFFFFFF80, s0  }
0x50: {  	[tilespmem:s20], [sflag:$0x1] =	stream.indirect.gather [hbm4b:s4+s19], $0x80, s22, s19, $0xb8;
	[tilespmem:$0x1DE80] =	vst v63  }
0x51: {  	_ =	swait.ge [sflag:s26], $0x80  }
0x52: {  	[sflag:s26] =	ssyncset.done $0x0  }
0x53: {  	[sflag:s26] =	ssyncadd.s32 $0xFFFFFF80  }
0x54: {  	_ =	swait.ge [sflag:s28], $0x3E80  }
0x55: {  	[sflag:s28] =	ssyncset.done $0x0  }
0x56: {  	[sflag:s28] =	ssyncadd.s32 $0xFFFFC180  }
0x57: {  	[spmem:s2] =	stream.indirect.scatter.add.f32 [tilespmem:s23], [sflag:$0x5], $0x80, s21, s19, $0xb8;
	[tilespmem:$0x1DE80] =	vst v63  }
.Ltmp0:
0x58: {  	_ =	swait.ge [sflag:s17], $0x3E80;
	(pc) =	sbr.rel @p1 .LBB2_2-.Ltmp0, $4  }
0x59: {  	[sflag:s17] =	ssyncset.done $0x0  }
0x5a: {  	s1 =	sadd.s32 $0x30, s1;
	[sflag:s17] =	ssyncadd.s32 $0xFFFFC180  }
0x5b: {  	[tilespmem:s21], [sflag:$0x4] =	stream.linear.gather [hbm4b:s1+s3], $0x80, $0x38;
	[tilespmem:$0x1DE80] =	vst v63  }
0x5c: {  	s0 =	sadd.s32 $0x100, s0  }
0x5d: {  	[tilespmem:s23], [sflag:$0x2] =	stream.indirect.gather [hbm4b:s4+s19], $0x80, s30, s19, $0xb8;
	[tilespmem:$0x1DE80] =	vst v63  }
0x5e: {  	_ =	swait.ge [sflag:s24], $0x80  }
0x5f: {  	[sflag:s24] =	ssyncset.done $0x0  }
0x60: {  	[sflag:s24] =	ssyncadd.s32 $0xFFFFFF80  }
0x61: {  	_ =	swait.ge [sflag:s25], $0x3E80  }
0x62: {  	[sflag:s25] =	ssyncset.done $0x0  }
0x63: {  	[sflag:s25] =	ssyncadd.s32 $0xFFFFC180  }
0x64: {  	[spmem:s2] =	stream.indirect.scatter.add.f32 [tilespmem:s20], [sflag:$0x5], $0x80, s18, s19, $0xb8;
	[tilespmem:$0x1DE80] =	vst v63  }
0x65: {  	_ =	swait.ge [sflag:s17], $0x3E80  }
0x66: {  	[sflag:s17] =	ssyncset.done $0x0  }
0x67: {  	[sflag:s17] =	ssyncadd.s32 $0xFFFFC180  }
0x68: {  	_ =	swait.ge [sflag:s26], $0x80  }
0x69: {  	[sflag:s26] =	ssyncset.done $0x0  }
0x6a: {  	[sflag:s26] =	ssyncadd.s32 $0xFFFFFF80  }
0x6b: {  	_ =	swait.ge [sflag:s28], $0x3E80  }
0x6c: {  	[sflag:s28] =	ssyncset.done $0x0  }
0x6d: {  	[sflag:s28] =	ssyncadd.s32 $0xFFFFC180  }
0x6e: {  	[spmem:s2] =	stream.indirect.scatter.add.f32 [tilespmem:s23], [sflag:$0x5], $0x80, s21, s19, $0xb8;
	[tilespmem:$0x1DE80] =	vst v63  }
0x6f: {  	_ =	swait.ge [sflag:s17], $0x3E80  }
0x70: {  	[sflag:s17] =	ssyncset.done $0x0  }
0x71: {  	[sflag:s17] =	ssyncadd.s32 $0xFFFFC180  }
0x72: {  	s0 =	sadd.s32 @p0 $0x25800, s11;
	s1 =	simm.s32 @p0 $0x1FC5;
	[bflag:$0x0] =	sbarrier.arrive $0xFFFF  }
0x73: {  	[hbm:s0], [sflag:s1] =	dma.local @p0 [spmem:s14], $0x1900  }
0x74: {  	s0 =	simm.s32 @p0 $0x5  }
0x75: {  	_ =	swait.ge @p0 [sflag:s0], $0x1900  }
0x76: {  	s29 =	sadd.s32 $0x1, s29;
	[sflag:s0] =	ssyncset.done @p0 $0x0  }
0x77: {  	p1 =	sne.s32 s29, s12;
	[sflag:s0] =	ssyncadd.s32 @p0 $0xFFFFE700;
	s0 =	sadd.s32 @!p0 s5, s11  }
0x78: {  	[hbm:s0], [sflag:s15] =	dma.local @!p0 [spmem:s16], $0x2800  }
.Ltmp1:
0x79: {  	_ = 	snop;
	(pc) =	sbr.rel @p1 .LBB2_1-.Ltmp1, $4  }
0x7a: {  	s0 =	simm.s32 @!p0 $0x5  }
0x7b: {  	_ =	swait.ge @!p0 [sflag:s0], $0x2800  }
0x7c: {  	[sflag:s0] =	ssyncset.done @!p0 $0x0  }
0x7d: {  	[sflag:s0] =	ssyncadd.s32 @!p0 $0xFFFFD800  }
0x7e: {  	_ =	sfence.sel $0x180000  }
0x7f: {  	[bflag:$0x0] =	sbarrier.arrive $0xFFFF  }
0x80: {  	_ =	strace $0x9000004D  }
0x81: {  	s0 =	stileid.u32;
	[bflag:$0x2] =	sbarrier.arrive $0xFFFF  }
0x82: {  	p0 =	sne.s32 s0, $0x0;
	s0 =	rddreg [dreg:$0x2]  }
0x83: {  	s0 =	sadd.s32 @!p0 $0x100000, s0  }
0x84: {  	[sflag:s0] =	ssyncadd.tile.s32 @!p0 $0x1;
	_ =	shalt  }
.Lfunc_end2:
_tile_overlayer_lowered:
.L_overlay_start_2:
0x85: {  	(tag) =	ssettag $0x2  }
0x86: {  	s0 =	rddreg [dreg:$0x0];
	s2 =	stileid.u32  }
0x87: {  	s1 =	rddreg [dreg:$0x1];
	p0 =	sne.s32 s2, $0x0  }
0x88: {  	s3 =	rddreg [dreg:$0x2];
	[bflag:$0x3] =	sbarrier.arrive $0xFFFF;
	s2 =	simm.s32 @!p0 $0x1C05  }
0x89: {  	[timem:s3], [sflag:s2] =	dma.local @!p0 [hbm:s0], s1  }
0x8a: {  	s0 =	simm.s32 @!p0 $0x5  }
0x8b: {  	_ =	swait.ge @!p0 [sflag:s0], s1  }
0x8c: {  	s1 =	ssub.s32 @!p0 $0x0, s1;
	[sflag:s0] =	ssyncset.done @!p0 $0x0  }
0x8d: {  	[sflag:s0] =	ssyncadd.s32 @!p0 s1  }
0x8e: {  	[bflag:$0x3] =	sbarrier.arrive $0xFFFF  }
0x8f: {  	_ =	shalt  }

</sc_bundles>
